<compile_context>
chip_gen: v7x
topology: tpu7x:2x2x1
jax: 0.10.2.dev20260603
libtpu: 0.0.44.dev20260713+nightly
codegen_flags: <defaults>
</compile_context>

<pallas_src>
import functools

import jax
import jax.numpy as jnp
from jax.experimental import pallas as pl
from jax.experimental.pallas import tpu as pltpu
from jax.experimental.pallas import tpu_sc as plsc

RANKING_K = 20
TOP_RANKED_N = 512
TOP_N_SIM = 5
TAU = 0.05
N_SRC = 4096
N_TGT = 2048
D = 256
BCOL = 256
NB = N_TGT // BCOL
EPS = 1e-12


def _normalize(x):
    n = jnp.sqrt(jnp.sum(x * x, axis=1, keepdims=True))
    return x / jnp.maximum(n, EPS)


def _phase1_kernel(s_ref, t_ref, t0_ref, slab_ref, slabt_ref, tlab_ref,
                   r_ref, asg_ref, ncorr_ref, mA):
    j = pl.program_id(0)
    s = _normalize(s_ref[...])
    t = _normalize(t_ref[...])
    t0 = _normalize(t0_ref[...])
    dn = (((1,), (1,)), ((), ()))
    sim = jax.lax.dot_general(s, t, dn, preferred_element_type=jnp.float32)
    sim0 = jax.lax.dot_general(s, t0, dn, preferred_element_type=jnp.float32)
    labs = slab_ref[...]
    slabt = slabt_ref[...]
    ones_row = jnp.ones((1, N_SRC), jnp.float32)
    dnr = (((1,), (0,)), ((), ()))

    mA[...] = sim
    top_labs = []
    for _ in range(TOP_N_SIM):
        a = mA[...]
        m = jnp.max(a, axis=0, keepdims=True)
        mval = jnp.where(m == -jnp.inf, jnp.inf, m)
        cand = a == mval
        candf = jnp.where(cand, jnp.float32(1.0), jnp.float32(0.0))
        lab = jax.lax.dot_general(slabt, candf, dnr,
                                  preferred_element_type=jnp.float32)
        mA[...] = jnp.where(cand, -jnp.inf, a)
        top_labs.append(lab)
    counts = []
    for a in range(TOP_N_SIM):
        c = jnp.zeros_like(top_labs[0])
        for b in range(TOP_N_SIM):
            c = c + (top_labs[a] == top_labs[b]).astype(jnp.float32)
        counts.append(c)
    maxc = functools.reduce(jnp.maximum, counts)
    assigned_f = functools.reduce(
        jnp.minimum,
        [jnp.where(counts[a] == maxc, top_labs[a], jnp.float32(1e9))
         for a in range(TOP_N_SIM)])
    assigned = assigned_f.astype(jnp.int32)

    tlab = tlab_ref[...].reshape(1, BCOL)
    ncorr_part = jnp.sum((assigned == tlab).astype(jnp.int32))

    pos = labs == assigned
    int_min = jnp.int32(-2147483648)
    skey = _sortable(sim)
    kp = jnp.where(pos, skey, int_min)
    kn = jnp.where(pos, int_min, skey)

    kf = jnp.float32(RANKING_K)

    def count_ge(keys, cand):
        ge = jnp.where(keys >= cand, jnp.float32(1.0), jnp.float32(0.0))
        return jax.lax.dot_general(ones_row, ge, (((1,), (0,)), ((), ())),
                                   preferred_element_type=jnp.float32)

    def init_prefix(keys):
        cnt0 = count_ge(keys, jnp.zeros((1, BCOL), jnp.int32))
        return jnp.where(cnt0 >= kf,
                         jnp.zeros((1, BCOL), jnp.int32),
                         jnp.full((1, BCOL), int_min, jnp.int32))

    def bit_body(i, carry):
        pp, pn = carry
        bit = jnp.int32(1) << (jnp.int32(30) - i)
        candp = pp + bit
        candn = pn + bit
        cntp = count_ge(kp, candp)
        cntn = count_ge(kn, candn)
        return (jnp.where(cntp >= kf, candp, pp),
                jnp.where(cntn >= kf, candn, pn))

    tp, tn = jax.lax.fori_loop(0, 31, bit_body,
                               (init_prefix(kp), init_prefix(kn)))
    tpx = jnp.maximum(tp, int_min + 1)
    tnx = jnp.maximum(tn, int_min + 1)
    zero = jnp.zeros_like(sim0)
    nln = jax.lax.dot_general(ones_row, jnp.where(kp >= tpx, sim0, zero),
                              dnr, preferred_element_type=jnp.float32)
    nun = jax.lax.dot_general(ones_row, jnp.where(kn >= tnx, sim0, zero),
                              dnr, preferred_element_type=jnp.float32)

    r_ref[...] = (nln / nun).reshape(1, 1, BCOL)
    asg_ref[...] = assigned.reshape(1, 1, BCOL)

    @pl.when(j == 0)
    def _():
        ncorr_ref[...] = jnp.zeros((1, 1), jnp.int32)
    ncorr_ref[...] += ncorr_part


def _sortable(x):
    b = jax.lax.bitcast_convert_type(x, jnp.int32)
    return jnp.where(b >= 0, b, b ^ jnp.int32(0x7FFFFFFF))


NW = 32
NV = N_TGT // 16
VPW = NV // NW


def _sc_sel_kernel(r_hbm, sel_hbm, r_v, key_v, sel_v):
    wid = jax.lax.axis_index("s") * 2 + jax.lax.axis_index("c")
    pltpu.sync_copy(r_hbm, r_v)

    int_min = jnp.int32(-2147483648)

    def vb(x):
        return jnp.broadcast_to(jnp.int32(x), (16,))

    def kbody(i, carry):
        v = r_v[pl.ds(i * 16, 16)]
        b = jax.lax.bitcast_convert_type(v, jnp.int32)
        key_v[pl.ds(i * 16, 16)] = jnp.where(b >= vb(0), b, b ^ vb(0x7FFFFFFF))
        return carry
    jax.lax.fori_loop(0, NV, kbody, jnp.int32(0))

    def lane_sum(x):
        dn = jax.lax.GatherDimensionNumbers(
            offset_dims=(), collapsed_slice_dims=(0,), start_index_map=(0,))
        for d in (8, 4, 2, 1):
            idx = jax.lax.iota(jnp.int32, 16) ^ vb(d)
            shuf = jax.lax.gather(
                x, idx[:, None], dn, slice_sizes=(1,),
                mode=jax.lax.GatherScatterMode.PROMISE_IN_BOUNDS)
            x = x + shuf
        return x

    def count_ge(cv):
        def cbody(i, acc):
            k = key_v[pl.ds(i * 16, 16)]
            return acc + jnp.where(k >= cv, vb(1), vb(0))
        return lane_sum(jax.lax.fori_loop(0, NV, cbody, vb(0)))

    cnt0 = count_ge(vb(0))
    kvec = vb(TOP_RANKED_N)
    prefix = jnp.where(cnt0 >= kvec, vb(0), vb(int_min))

    def dbody(i, pfx):
        bit = jnp.broadcast_to(jnp.int32(1) << (jnp.int32(30) - i), (16,))
        cand = pfx + bit
        return jnp.where(count_ge(cand) >= kvec, cand, pfx)
    t = jax.lax.fori_loop(0, 31, dbody, prefix)

    def sbody(i, carry):
        k = key_v[pl.ds((wid * VPW + i) * 16, 16)]
        sel_v[pl.ds(i * 16, 16)] = jnp.where(k >= t, vb(1), vb(0))
        return carry
    jax.lax.fori_loop(0, VPW, sbody, jnp.int32(0))
    pltpu.sync_copy(sel_v, sel_hbm.at[pl.ds(wid * (16 * VPW), 16 * VPW)])


def _sc_topk_sel(r):
    @functools.partial(
        pl.kernel,
        mesh=plsc.VectorSubcoreMesh(core_axis_name="c", subcore_axis_name="s"),
        out_type=jax.ShapeDtypeStruct((N_TGT,), jnp.int32),
        scratch_types=[
            pltpu.VMEM((N_TGT,), jnp.float32),
            pltpu.VMEM((N_TGT,), jnp.int32),
            pltpu.VMEM((16 * VPW,), jnp.int32),
        ],
    )
    def run(r_hbm, sel_hbm, r_v, key_v, sel_v):
        _sc_sel_kernel(r_hbm, sel_hbm, r_v, key_v, sel_v)

    return run(r)


def _phase2_kernel(s_ref, t0_ref, slab_ref, sel3_ref, asg_ref, loss_ref):
    j = pl.program_id(0)
    sel = sel3_ref[...].reshape(1, BCOL) != 0

    s = _normalize(s_ref[...])
    t0 = _normalize(t0_ref[...])
    sim0 = jax.lax.dot_general(s, t0, (((1,), (1,)), ((), ())),
                               preferred_element_type=jnp.float32)
    labs = slab_ref[...]
    asg = asg_ref[...].reshape(1, BCOL)
    mask = (labs == asg).astype(jnp.float32)
    z = sim0 / jnp.float32(TAU)
    m = jnp.max(z, axis=0, keepdims=True)
    e = jnp.exp(z - m)
    den = jnp.sum(e, axis=0, keepdims=True)
    num = jnp.sum(e * mask, axis=0, keepdims=True)
    term = jnp.log(num / den + jnp.float32(1e-6))
    part = jnp.sum(jnp.where(sel, term, jnp.zeros_like(term)))

    @pl.when(j == 0)
    def _():
        loss_ref[...] = jnp.zeros((1, 1), jnp.float32)
    loss_ref[...] += part

    @pl.when(j == NB - 1)
    def _():
        loss_ref[...] = jnp.float32(-1.0) * (loss_ref[...] / jnp.float32(TOP_RANKED_N))


def kernel(source_features, source_labels, target_features, target_features_0,
           target_labels):
    slab2 = source_labels.reshape(N_SRC, 1).astype(jnp.int32)
    tlab3 = target_labels.reshape(NB, 1, BCOL).astype(jnp.int32)

    r3, asg3, ncorr = pl.pallas_call(
        _phase1_kernel,
        grid=(NB,),
        in_specs=[
            pl.BlockSpec((N_SRC, D), lambda j: (0, 0)),
            pl.BlockSpec((BCOL, D), lambda j: (j, 0)),
            pl.BlockSpec((BCOL, D), lambda j: (j, 0)),
            pl.BlockSpec((N_SRC, 1), lambda j: (0, 0)),
            pl.BlockSpec((1, N_SRC), lambda j: (0, 0)),
            pl.BlockSpec((1, 1, BCOL), lambda j: (j, 0, 0)),
        ],
        out_specs=[
            pl.BlockSpec((1, 1, BCOL), lambda j: (j, 0, 0)),
            pl.BlockSpec((1, 1, BCOL), lambda j: (j, 0, 0)),
            pl.BlockSpec((1, 1), lambda j: (0, 0)),
        ],
        out_shape=[
            jax.ShapeDtypeStruct((NB, 1, BCOL), jnp.float32),
            jax.ShapeDtypeStruct((NB, 1, BCOL), jnp.int32),
            jax.ShapeDtypeStruct((1, 1), jnp.int32),
        ],
        scratch_shapes=[
            pltpu.VMEM((N_SRC, BCOL), jnp.float32),
        ],
    )(source_features, target_features, target_features_0, slab2,
      slab2.reshape(1, N_SRC).astype(jnp.float32), tlab3)

    sel3 = _sc_topk_sel(r3.reshape(N_TGT)).reshape(NB, 1, BCOL)
    loss = pl.pallas_call(
        _phase2_kernel,
        grid=(NB,),
        in_specs=[
            pl.BlockSpec((N_SRC, D), lambda j: (0, 0)),
            pl.BlockSpec((BCOL, D), lambda j: (j, 0)),
            pl.BlockSpec((N_SRC, 1), lambda j: (0, 0)),
            pl.BlockSpec((1, 1, BCOL), lambda j: (j, 0, 0)),
            pl.BlockSpec((1, 1, BCOL), lambda j: (j, 0, 0)),
        ],
        out_specs=pl.BlockSpec((1, 1), lambda j: (0, 0)),
        out_shape=jax.ShapeDtypeStruct((1, 1), jnp.float32),
    )(source_features, target_features_0, slab2, sel3, asg3)

    return loss.reshape(()), ncorr.reshape(()).astype(jnp.int32)

# --- scband reference (transcript-rebuilt; emitter-appended) ---
"""Pipeline reference for scband-mscloss-84971632984673 (READ-ONLY COPY).

The authoritative reference and input builder live on the scoring server;
editing this copy changes nothing except your own understanding.
"""

import jax, jax.numpy as jnp
import numpy as np

RANKING_K = 20
TOP_RANKED_N = 512
TOP_N_SIM = 5
TAU = 0.05
NUM_CLASSES = 64
N_SRC = 4096
N_TGT = 2048
D = 256


def _l2_normalize(x, axis=1, eps=1e-12):
    n = jnp.sqrt(jnp.sum(x * x, axis=axis, keepdims=True))
    return x / jnp.maximum(n, eps)


def _cosine_sim(a, b):
    a = _l2_normalize(a, axis=1)
    b = _l2_normalize(b, axis=1)
    return a @ b.T


def setup_inputs(seed: int = 0) -> dict:
    key = jax.random.key(seed)
    k1, k2, k3, k4, k5 = jax.random.split(key, 5)
    return {
        "source_features": jax.random.normal(k1, (N_SRC, D), dtype=jnp.float32),
        "source_labels": jax.random.randint(k2, (N_SRC,), 0, NUM_CLASSES, dtype=jnp.int64) if jax.config.jax_enable_x64 else jax.random.randint(k2, (N_SRC,), 0, NUM_CLASSES, dtype=jnp.int32),
        "target_features": jax.random.normal(k3, (N_TGT, D), dtype=jnp.float32),
        "target_features_0": jax.random.normal(k4, (N_TGT, D), dtype=jnp.float32),
        "target_labels": jax.random.randint(k5, (N_TGT,), 0, NUM_CLASSES, dtype=jnp.int64) if jax.config.jax_enable_x64 else jax.random.randint(k5, (N_TGT,), 0, NUM_CLASSES, dtype=jnp.int32),
    }


def reference(source_features, source_labels, target_features, target_features_0, target_labels):
    # similarity matrices (cosine)
    sim_matrix = _cosine_sim(source_features, target_features)      # [N_src, N_tgt]
    sim_matrix_0 = _cosine_sim(source_features, target_features_0)  # [N_src, N_tgt]

    # assign_labels_KNN: sort descending over source axis (dim=0)
    ind = jnp.argsort(-sim_matrix, axis=0)                          # [N_src, N_tgt]
    k_ordered = source_labels[ind[:TOP_N_SIM]]                      # [top_n_sim, N_tgt]
    counts = jax.nn.one_hot(k_ordered, NUM_CLASSES, dtype=jnp.float32).sum(axis=0)  # [N_tgt, C]
    assigned_tgt_labels = jnp.argmax(counts, axis=-1).astype(source_labels.dtype)   # mode (smallest on tie)
    correct = jnp.where(assigned_tgt_labels == target_labels, 1, 0)
    num_correct = jnp.count_nonzero(correct)

    # ranking scores, vectorized over all targets
    v = jnp.take_along_axis(sim_matrix_0, ind, axis=0)              # sim0 in sorted order per column
    sorted_labels = source_labels[ind]                              # [N_src, N_tgt]
    m_pos = (sorted_labels == assigned_tgt_labels[None, :]).astype(sim_matrix_0.dtype)
    c_pos = jnp.cumsum(m_pos, axis=0)
    nln_sum = jnp.sum(v * m_pos * (c_pos <= RANKING_K).astype(v.dtype), axis=0)
    m_neg = 1.0 - m_pos
    c_neg = jnp.cumsum(m_neg, axis=0)
    nun_sum = jnp.sum(v * m_neg * (c_neg <= RANKING_K).astype(v.dtype), axis=0)
    ranking_scores = jax.lax.stop_gradient(nln_sum / nun_sum)       # .detach()

    _, top_n_tgt_ind = jax.lax.top_k(ranking_scores, TOP_RANKED_N)
    confident_sim_matrix = sim_matrix_0[:, top_n_tgt_ind]           # [N_src, top_ranked_n]
    confident_tgt_labels = assigned_tgt_labels[top_n_tgt_ind]

    # calc_loss
    mask_sim = (source_labels[:, None] == confident_tgt_labels[None, :]).astype(confident_sim_matrix.dtype)
    expScores = jax.nn.softmax(confident_sim_matrix / TAU, axis=0)
    contrastive = (expScores * mask_sim).sum(axis=0) / expScores.sum(axis=0)
    msc_loss = -1.0 * jnp.mean(jnp.log(contrastive + 1e-06))
    return msc_loss, num_correct

if __name__ == "__main__":
    import jax
    _d = setup_inputs()
    print(jax.jit(kernel)(*tuple(_d.values())))

</pallas_src>

<mosaic_0001>
#map = affine_map<(d0, d1) -> (0)>
module attributes {stable_mosaic.version = 14 : i64} {
  func.func @run(%arg0: i32, %arg1: i32, %arg2: memref<2048xf32, #tpu.memory_space<hbm>>, %arg3: memref<2048xi32, #tpu.memory_space<hbm>>, %arg4: memref<2048xf32, #tpu.memory_space<vmem>>, %arg5: memref<2048xi32, #tpu.memory_space<vmem>>, %arg6: memref<64xi32, #tpu.memory_space<vmem>>) attributes {dimension_semantics = [#tpu.dimension_semantics<core_parallel>, #tpu.dimension_semantics<subcore_parallel>], iteration_bounds = array<i64: 2, 16>, scalar_prefetch = 0 : i64, scratch_operands = 3 : i64, tpu.core_type = #tpu.core_type<sc_vector_subcore>, window_params = [{transform_indices = #map}, {transform_indices = #map}]} {
    %mul3A = arith.constant 2 : i32
    %mul3A_0 = arith.muli %arg1, %mul3A : i32
    %add3A = arith.addi %mul3A_0, %arg0 : i32
    "tpu.region"() ({
      %run_scoped3A = tpu.sem_alloc : memref<!tpu.dma_semaphore, #tpu.memory_space<semaphore_mem>>
      tpu.enqueue_dma source(%arg2 : memref<2048xf32, #tpu.memory_space<hbm>>) target(%arg4 : memref<2048xf32, #tpu.memory_space<vmem>>) target_semaphore(%run_scoped3A : memref<!tpu.dma_semaphore, #tpu.memory_space<semaphore_mem>>)
      tpu.wait_dma2 semaphore(%run_scoped3A : memref<!tpu.dma_semaphore, #tpu.memory_space<semaphore_mem>>) src(%arg2 : memref<2048xf32, #tpu.memory_space<hbm>>) dst(%arg4 : memref<2048xf32, #tpu.memory_space<vmem>>)
      tpu.yield
    }) : () -> ()
    %scan3A = arith.constant 0 : i32
    %scan3A_1 = arith.constant 0 : i32
    %scan3A_2 = arith.constant 128 : i32
    %scan3A_3 = arith.addi %scan3A_1, %scan3A_2 : i32
    %scan3A_4 = arith.constant 1 : i32
    scf.for %scan3A_64 = %scan3A_1 to %scan3A_3 step %scan3A_4  : i32 {
      %mul3A_65 = arith.constant 16 : i32
      %mul3A_66 = arith.muli %scan3A_64, %mul3A_65 : i32
      %get3A = arith.index_cast %mul3A_66 : i32 to index
      %get3A_67 = tpu.vector_load %arg4[%get3A] {strides = array<i32>} : memref<2048xf32, #tpu.memory_space<vmem>>, vector<16xf32>,
      %get3A_68 = vector.shape_cast %get3A_67 : vector<16xf32> to vector<16xf32>
      %bitcast_convert_type3A = tpu.bitcast %get3A_68 : vector<16xf32> -> vector<16xi32>
      %broadcast_in_dim3A_69 = arith.constant 0 : i32
      %broadcast_in_dim3A_70 = vector.broadcast %broadcast_in_dim3A_69 : i32 to vector<16xi32>
      %ge3A_71 = arith.cmpi sge, %bitcast_convert_type3A, %broadcast_in_dim3A_70 : vector<16xi32>
      %broadcast_in_dim3A_72 = arith.constant 2147483647 : i32
      %broadcast_in_dim3A_73 = vector.broadcast %broadcast_in_dim3A_72 : i32 to vector<16xi32>
      %xor3A_74 = arith.xori %bitcast_convert_type3A, %broadcast_in_dim3A_73 : vector<16xi32>
      %select_n3A_75 = arith.select %ge3A_71, %bitcast_convert_type3A, %xor3A_74 : vector<16xi1>, vector<16xi32>
      %mul3A_76 = arith.constant 16 : i32
      %mul3A_77 = arith.muli %scan3A_64, %mul3A_76 : i32
      %swap3A = arith.index_cast %mul3A_77 : i32 to index
      %swap3A_78 = tpu.vector_load %arg5[%swap3A] {strides = array<i32>} : memref<2048xi32, #tpu.memory_space<vmem>>, vector<16xi32>,
      %swap3A_79 = vector.shape_cast %swap3A_78 : vector<16xi32> to vector<16xi32>
      %swap3A_80 = vector.shape_cast %select_n3A_75 : vector<16xi32> to vector<16xi32>
      tpu.vector_store %arg5[%swap3A], %swap3A_80 {strides = array<i32>} : memref<2048xi32, #tpu.memory_space<vmem>>, vector<16xi32>,
    }
    %scan3A_5 = arith.constant 128 : i32
    %broadcast_in_dim3A = arith.constant 0 : i32
    %broadcast_in_dim3A_6 = vector.broadcast %broadcast_in_dim3A : i32 to vector<16xi32>
    %broadcast_in_dim3A_7 = arith.constant 0 : i32
    %broadcast_in_dim3A_8 = vector.broadcast %broadcast_in_dim3A_7 : i32 to vector<16xi32>
    %scan3A_9 = arith.constant 0 : i32
    %scan3A_10 = arith.constant 128 : i32
    %scan3A_11 = arith.addi %scan3A_9, %scan3A_10 : i32
    %scan3A_12 = arith.constant 1 : i32
    %scan3A_13 = scf.for %scan3A_64 = %scan3A_9 to %scan3A_11 step %scan3A_12 iter_args(%scan3A_65 = %broadcast_in_dim3A_8) -> (vector<16xi32>)  : i32 {
      %mul3A_66 = arith.constant 16 : i32
      %mul3A_67 = arith.muli %scan3A_64, %mul3A_66 : i32
      %get3A = arith.index_cast %mul3A_67 : i32 to index
      %get3A_68 = tpu.vector_load %arg5[%get3A] {strides = array<i32>} : memref<2048xi32, #tpu.memory_space<vmem>>, vector<16xi32>,
      %get3A_69 = vector.shape_cast %get3A_68 : vector<16xi32> to vector<16xi32>
      %ge3A_70 = arith.cmpi sge, %get3A_69, %broadcast_in_dim3A_6 : vector<16xi32>
      %broadcast_in_dim3A_71 = arith.constant 1 : i32
      %broadcast_in_dim3A_72 = vector.broadcast %broadcast_in_dim3A_71 : i32 to vector<16xi32>
      %broadcast_in_dim3A_73 = arith.constant 0 : i32
      %broadcast_in_dim3A_74 = vector.broadcast %broadcast_in_dim3A_73 : i32 to vector<16xi32>
      %select_n3A_75 = arith.select %ge3A_70, %broadcast_in_dim3A_72, %broadcast_in_dim3A_74 : vector<16xi1>, vector<16xi32>
      %add3A_76 = arith.addi %scan3A_65, %select_n3A_75 : vector<16xi32>
      scf.yield %add3A_76 : vector<16xi32>
    }
    %scan3A_14 = arith.constant 128 : i32
    %iota3A = tpu.iota {dimensions = array<i32: 0>} : vector<16xi32>
    %broadcast_in_dim3A_15 = arith.constant 8 : i32
    %broadcast_in_dim3A_16 = vector.broadcast %broadcast_in_dim3A_15 : i32 to vector<16xi32>
    %xor3A = arith.xori %iota3A, %broadcast_in_dim3A_16 : vector<16xi32>
    %broadcast_in_dim3A_17 = vector.shape_cast %xor3A : vector<16xi32> to vector<16x1xi32>
    %gather3A = vector.shape_cast %broadcast_in_dim3A_17 : vector<16x1xi32> to vector<16xi32>
    %gather3A_18 = tpu.dynamic_gather %scan3A_13[%gather3A] in [0] : vector<16xi32>, vector<16xi32> -> vector<16xi32>
    %add3A_19 = arith.addi %scan3A_13, %gather3A_18 : vector<16xi32>
    %iota3A_20 = tpu.iota {dimensions = array<i32: 0>} : vector<16xi32>
    %broadcast_in_dim3A_21 = arith.constant 4 : i32
    %broadcast_in_dim3A_22 = vector.broadcast %broadcast_in_dim3A_21 : i32 to vector<16xi32>
    %xor3A_23 = arith.xori %iota3A_20, %broadcast_in_dim3A_22 : vector<16xi32>
    %broadcast_in_dim3A_24 = vector.shape_cast %xor3A_23 : vector<16xi32> to vector<16x1xi32>
    %gather3A_25 = vector.shape_cast %broadcast_in_dim3A_24 : vector<16x1xi32> to vector<16xi32>
    %gather3A_26 = tpu.dynamic_gather %add3A_19[%gather3A_25] in [0] : vector<16xi32>, vector<16xi32> -> vector<16xi32>
    %add3A_27 = arith.addi %add3A_19, %gather3A_26 : vector<16xi32>
    %iota3A_28 = tpu.iota {dimensions = array<i32: 0>} : vector<16xi32>
    %broadcast_in_dim3A_29 = arith.constant 2 : i32
    %broadcast_in_dim3A_30 = vector.broadcast %broadcast_in_dim3A_29 : i32 to vector<16xi32>
    %xor3A_31 = arith.xori %iota3A_28, %broadcast_in_dim3A_30 : vector<16xi32>
    %broadcast_in_dim3A_32 = vector.shape_cast %xor3A_31 : vector<16xi32> to vector<16x1xi32>
    %gather3A_33 = vector.shape_cast %broadcast_in_dim3A_32 : vector<16x1xi32> to vector<16xi32>
    %gather3A_34 = tpu.dynamic_gather %add3A_27[%gather3A_33] in [0] : vector<16xi32>, vector<16xi32> -> vector<16xi32>
    %add3A_35 = arith.addi %add3A_27, %gather3A_34 : vector<16xi32>
    %iota3A_36 = tpu.iota {dimensions = array<i32: 0>} : vector<16xi32>
    %broadcast_in_dim3A_37 = arith.constant 1 : i32
    %broadcast_in_dim3A_38 = vector.broadcast %broadcast_in_dim3A_37 : i32 to vector<16xi32>
    %xor3A_39 = arith.xori %iota3A_36, %broadcast_in_dim3A_38 : vector<16xi32>
    %broadcast_in_dim3A_40 = vector.shape_cast %xor3A_39 : vector<16xi32> to vector<16x1xi32>
    %gather3A_41 = vector.shape_cast %broadcast_in_dim3A_40 : vector<16x1xi32> to vector<16xi32>
    %gather3A_42 = tpu.dynamic_gather %add3A_35[%gather3A_41] in [0] : vector<16xi32>, vector<16xi32> -> vector<16xi32>
    %add3A_43 = arith.addi %add3A_35, %gather3A_42 : vector<16xi32>
    %broadcast_in_dim3A_44 = arith.constant 512 : i32
    %broadcast_in_dim3A_45 = vector.broadcast %broadcast_in_dim3A_44 : i32 to vector<16xi32>
    %ge3A = arith.cmpi sge, %add3A_43, %broadcast_in_dim3A_45 : vector<16xi32>
    %broadcast_in_dim3A_46 = arith.constant 0 : i32
    %broadcast_in_dim3A_47 = vector.broadcast %broadcast_in_dim3A_46 : i32 to vector<16xi32>
    %broadcast_in_dim3A_48 = arith.constant -2147483648 : i32
    %broadcast_in_dim3A_49 = vector.broadcast %broadcast_in_dim3A_48 : i32 to vector<16xi32>
    %select_n3A = arith.select %ge3A, %broadcast_in_dim3A_47, %broadcast_in_dim3A_49 : vector<16xi1>, vector<16xi32>
    %scan3A_50 = arith.constant 0 : i32
    %scan3A_51 = arith.constant 31 : i32
    %scan3A_52 = arith.addi %scan3A_50, %scan3A_51 : i32
    %scan3A_53 = arith.constant 1 : i32
    %scan3A_54 = scf.for %scan3A_64 = %scan3A_50 to %scan3A_52 step %scan3A_53 iter_args(%scan3A_65 = %select_n3A) -> (vector<16xi32>)  : i32 {
      %sub3A = arith.constant 30 : i32
      %sub3A_66 = arith.subi %sub3A, %scan3A_64 : i32
      %shift_left3A = arith.constant 1 : i32
      %shift_left3A_67 = arith.shli %shift_left3A, %sub3A_66 : i32
      %broadcast_in_dim3A_68 = vector.broadcast %shift_left3A_67 : i32 to vector<16xi32>
      %add3A_69 = arith.addi %scan3A_65, %broadcast_in_dim3A_68 : vector<16xi32>
      %broadcast_in_dim3A_70 = arith.constant 0 : i32
      %broadcast_in_dim3A_71 = vector.broadcast %broadcast_in_dim3A_70 : i32 to vector<16xi32>
      %scan3A_72 = arith.constant 0 : i32
      %scan3A_73 = arith.constant 128 : i32
      %scan3A_74 = arith.addi %scan3A_72, %scan3A_73 : i32
      %scan3A_75 = arith.constant 1 : i32
      %scan3A_76 = scf.for %scan3A_112 = %scan3A_72 to %scan3A_74 step %scan3A_75 iter_args(%scan3A_113 = %broadcast_in_dim3A_71) -> (vector<16xi32>)  : i32 {
        %mul3A_114 = arith.constant 16 : i32
        %mul3A_115 = arith.muli %scan3A_112, %mul3A_114 : i32
        %get3A = arith.index_cast %mul3A_115 : i32 to index
        %get3A_116 = tpu.vector_load %arg5[%get3A] {strides = array<i32>} : memref<2048xi32, #tpu.memory_space<vmem>>, vector<16xi32>,
        %get3A_117 = vector.shape_cast %get3A_116 : vector<16xi32> to vector<16xi32>
        %ge3A_118 = arith.cmpi sge, %get3A_117, %add3A_69 : vector<16xi32>
        %broadcast_in_dim3A_119 = arith.constant 1 : i32
        %broadcast_in_dim3A_120 = vector.broadcast %broadcast_in_dim3A_119 : i32 to vector<16xi32>
        %broadcast_in_dim3A_121 = arith.constant 0 : i32
        %broadcast_in_dim3A_122 = vector.broadcast %broadcast_in_dim3A_121 : i32 to vector<16xi32>
        %select_n3A_123 = arith.select %ge3A_118, %broadcast_in_dim3A_120, %broadcast_in_dim3A_122 : vector<16xi1>, vector<16xi32>
        %add3A_124 = arith.addi %scan3A_113, %select_n3A_123 : vector<16xi32>
        scf.yield %add3A_124 : vector<16xi32>
      }
      %scan3A_77 = arith.constant 128 : i32
      %iota3A_78 = tpu.iota {dimensions = array<i32: 0>} : vector<16xi32>
      %broadcast_in_dim3A_79 = arith.constant 8 : i32
      %broadcast_in_dim3A_80 = vector.broadcast %broadcast_in_dim3A_79 : i32 to vector<16xi32>
      %xor3A_81 = arith.xori %iota3A_78, %broadcast_in_dim3A_80 : vector<16xi32>
      %broadcast_in_dim3A_82 = vector.shape_cast %xor3A_81 : vector<16xi32> to vector<16x1xi32>
      %gather3A_83 = vector.shape_cast %broadcast_in_dim3A_82 : vector<16x1xi32> to vector<16xi32>
      %gather3A_84 = tpu.dynamic_gather %scan3A_76[%gather3A_83] in [0] : vector<16xi32>, vector<16xi32> -> vector<16xi32>
      %add3A_85 = arith.addi %scan3A_76, %gather3A_84 : vector<16xi32>
      %iota3A_86 = tpu.iota {dimensions = array<i32: 0>} : vector<16xi32>
      %broadcast_in_dim3A_87 = arith.constant 4 : i32
      %broadcast_in_dim3A_88 = vector.broadcast %broadcast_in_dim3A_87 : i32 to vector<16xi32>
      %xor3A_89 = arith.xori %iota3A_86, %broadcast_in_dim3A_88 : vector<16xi32>
      %broadcast_in_dim3A_90 = vector.shape_cast %xor3A_89 : vector<16xi32> to vector<16x1xi32>
      %gather3A_91 = vector.shape_cast %broadcast_in_dim3A_90 : vector<16x1xi32> to vector<16xi32>
      %gather3A_92 = tpu.dynamic_gather %add3A_85[%gather3A_91] in [0] : vector<16xi32>, vector<16xi32> -> vector<16xi32>
      %add3A_93 = arith.addi %add3A_85, %gather3A_92 : vector<16xi32>
      %iota3A_94 = tpu.iota {dimensions = array<i32: 0>} : vector<16xi32>
      %broadcast_in_dim3A_95 = arith.constant 2 : i32
      %broadcast_in_dim3A_96 = vector.broadcast %broadcast_in_dim3A_95 : i32 to vector<16xi32>
      %xor3A_97 = arith.xori %iota3A_94, %broadcast_in_dim3A_96 : vector<16xi32>
      %broadcast_in_dim3A_98 = vector.shape_cast %xor3A_97 : vector<16xi32> to vector<16x1xi32>
      %gather3A_99 = vector.shape_cast %broadcast_in_dim3A_98 : vector<16x1xi32> to vector<16xi32>
      %gather3A_100 = tpu.dynamic_gather %add3A_93[%gather3A_99] in [0] : vector<16xi32>, vector<16xi32> -> vector<16xi32>
      %add3A_101 = arith.addi %add3A_93, %gather3A_100 : vector<16xi32>
      %iota3A_102 = tpu.iota {dimensions = array<i32: 0>} : vector<16xi32>
      %broadcast_in_dim3A_103 = arith.constant 1 : i32
      %broadcast_in_dim3A_104 = vector.broadcast %broadcast_in_dim3A_103 : i32 to vector<16xi32>
      %xor3A_105 = arith.xori %iota3A_102, %broadcast_in_dim3A_104 : vector<16xi32>
      %broadcast_in_dim3A_106 = vector.shape_cast %xor3A_105 : vector<16xi32> to vector<16x1xi32>
      %gather3A_107 = vector.shape_cast %broadcast_in_dim3A_106 : vector<16x1xi32> to vector<16xi32>
      %gather3A_108 = tpu.dynamic_gather %add3A_101[%gather3A_107] in [0] : vector<16xi32>, vector<16xi32> -> vector<16xi32>
      %add3A_109 = arith.addi %add3A_101, %gather3A_108 : vector<16xi32>
      %ge3A_110 = arith.cmpi sge, %add3A_109, %broadcast_in_dim3A_45 : vector<16xi32>
      %select_n3A_111 = arith.select %ge3A_110, %add3A_69, %scan3A_65 : vector<16xi1>, vector<16xi32>
      scf.yield %select_n3A_111 : vector<16xi32>
    }
    %scan3A_55 = arith.constant 31 : i32
    %scan3A_56 = arith.constant 0 : i32
    %scan3A_57 = arith.constant 0 : i32
    %scan3A_58 = arith.constant 4 : i32
    %scan3A_59 = arith.addi %scan3A_57, %scan3A_58 : i32
    %scan3A_60 = arith.constant 1 : i32
    scf.for %scan3A_64 = %scan3A_57 to %scan3A_59 step %scan3A_60  : i32 {
      %mul3A_65 = arith.constant 4 : i32
      %mul3A_66 = arith.muli %add3A, %mul3A_65 : i32
      %add3A_67 = arith.addi %mul3A_66, %scan3A_64 : i32
      %mul3A_68 = arith.constant 16 : i32
      %mul3A_69 = arith.muli %add3A_67, %mul3A_68 : i32
      %get3A = arith.index_cast %mul3A_69 : i32 to index
      %get3A_70 = tpu.vector_load %arg5[%get3A] {strides = array<i32>} : memref<2048xi32, #tpu.memory_space<vmem>>, vector<16xi32>,
      %get3A_71 = vector.shape_cast %get3A_70 : vector<16xi32> to vector<16xi32>
      %ge3A_72 = arith.cmpi sge, %get3A_71, %scan3A_54 : vector<16xi32>
      %broadcast_in_dim3A_73 = arith.constant 1 : i32
      %broadcast_in_dim3A_74 = vector.broadcast %broadcast_in_dim3A_73 : i32 to vector<16xi32>
      %broadcast_in_dim3A_75 = arith.constant 0 : i32
      %broadcast_in_dim3A_76 = vector.broadcast %broadcast_in_dim3A_75 : i32 to vector<16xi32>
      %select_n3A_77 = arith.select %ge3A_72, %broadcast_in_dim3A_74, %broadcast_in_dim3A_76 : vector<16xi1>, vector<16xi32>
      %mul3A_78 = arith.constant 16 : i32
      %mul3A_79 = arith.muli %scan3A_64, %mul3A_78 : i32
      %swap3A = arith.index_cast %mul3A_79 : i32 to index
      %swap3A_80 = tpu.vector_load %arg6[%swap3A] {strides = array<i32>} : memref<64xi32, #tpu.memory_space<vmem>>, vector<16xi32>,
      %swap3A_81 = vector.shape_cast %swap3A_80 : vector<16xi32> to vector<16xi32>
      %swap3A_82 = vector.shape_cast %select_n3A_77 : vector<16xi32> to vector<16xi32>
      tpu.vector_store %arg6[%swap3A], %swap3A_82 {strides = array<i32>} : memref<64xi32, #tpu.memory_space<vmem>>, vector<16xi32>,
    }
    %scan3A_61 = arith.constant 4 : i32
    %mul3A_62 = arith.constant 64 : i32
    %mul3A_63 = arith.muli %add3A, %mul3A_62 : i32
    "tpu.region"() ({
      %run_scoped3A = tpu.sem_alloc : memref<!tpu.dma_semaphore, #tpu.memory_space<semaphore_mem>>
      %dma_start3A = tpu.memref_slice %arg3[%mul3A_63] : memref<2048xi32, #tpu.memory_space<hbm>> -> memref<64xi32, #tpu.memory_space<hbm>>
      %dma_start3A_64 = tpu.memref_slice %arg3[%mul3A_63] : memref<2048xi32, #tpu.memory_space<hbm>> -> memref<64xi32, #tpu.memory_space<hbm>>
      tpu.enqueue_dma source(%arg6 : memref<64xi32, #tpu.memory_space<vmem>>) target(%dma_start3A_64 : memref<64xi32, #tpu.memory_space<hbm>>) target_semaphore(%run_scoped3A : memref<!tpu.dma_semaphore, #tpu.memory_space<semaphore_mem>>)
      %dma_wait3A = tpu.memref_slice %arg3[%mul3A_63] : memref<2048xi32, #tpu.memory_space<hbm>> -> memref<64xi32, #tpu.memory_space<hbm>>
      %dma_wait3A_65 = tpu.memref_slice %arg3[%mul3A_63] : memref<2048xi32, #tpu.memory_space<hbm>> -> memref<64xi32, #tpu.memory_space<hbm>>
      tpu.wait_dma2 semaphore(%run_scoped3A : memref<!tpu.dma_semaphore, #tpu.memory_space<semaphore_mem>>) src(%arg6 : memref<64xi32, #tpu.memory_space<vmem>>) dst(%dma_wait3A_65 : memref<64xi32, #tpu.memory_space<hbm>>)
      tpu.yield
    }) : () -> ()
    return
  }
}

module attributes {stable_mosaic.version = 14 : i64} {
  func.func @_phase2_kernel(%arg0: i32, %arg1: memref<4096x256xf32, #tpu.memory_space<vmem>>, %arg2: memref<256x256xf32, #tpu.memory_space<vmem>>, %arg3: memref<4096x1xi32, #tpu.memory_space<vmem>>, %arg4: memref<1x1x256xi32, #tpu.memory_space<vmem>>, %arg5: memref<1x1x256xi32, #tpu.memory_space<vmem>>, %arg6: memref<1x1xf32, #tpu.memory_space<vmem>>) attributes {dimension_semantics = [#tpu.dimension_semantics<arbitrary>], iteration_bounds = array<i64: 8>, scalar_prefetch = 0 : i64, scratch_operands = 0 : i64, tpu.core_type = #tpu.core_type<tc>, window_params = [{pipeline_mode = #tpu.pipeline_mode<synchronous>, transform_indices = @transform_0, window_bounds = array<i64: 4096, 256>}, {transform_indices = @transform_1, window_bounds = array<i64: 256, 256>}, {pipeline_mode = #tpu.pipeline_mode<synchronous>, transform_indices = @transform_2, window_bounds = array<i64: 4096, 1>}, {transform_indices = @transform_3, window_bounds = array<i64: 1, 1, 256>}, {transform_indices = @transform_4, window_bounds = array<i64: 1, 1, 256>}, {pipeline_mode = #tpu.pipeline_mode<synchronous>, transform_indices = @transform_5, window_bounds = array<i64: 1, 1>}]} {
    %get3A = arith.constant 0 : index
    %get3A_0 = arith.constant 0 : index
    %get3A_1 = arith.constant 0 : index
    %get3A_2 = vector.load %arg4[%get3A, %get3A_0, %get3A_1] : memref<1x1x256xi32, #tpu.memory_space<vmem>>, vector<1x1x256xi32>
    %reshape3A = vector.shape_cast %get3A_2 : vector<1x1x256xi32> to vector<1x256xi32>
    %ne3A = arith.constant 0 : i32
    %ne3A_3 = vector.broadcast %ne3A : i32 to vector<1x256xi32>
    %ne3A_4 = arith.cmpi ne, %reshape3A, %ne3A_3 : vector<1x256xi32>
    %get3A_5 = arith.constant 0 : index
    %get3A_6 = arith.constant 0 : index
    %get3A_7 = vector.load %arg1[%get3A_5, %get3A_6] : memref<4096x256xf32, #tpu.memory_space<vmem>>, vector<4096x256xf32>
    %mul3A = arith.mulf %get3A_7, %get3A_7 : vector<4096x256xf32>
    %reduce_sum3A = arith.constant dense<0.000000e+00> : vector<4096xf32>
    %reduce_sum3A_8 = vector.multi_reduction <add>, %mul3A, %reduce_sum3A [1] : vector<4096x256xf32> to vector<4096xf32>
    %broadcast_in_dim3A = vector.shape_cast %reduce_sum3A_8 : vector<4096xf32> to vector<4096x1xf32>
    %sqrt3A = math.sqrt %broadcast_in_dim3A : vector<4096x1xf32>
    %max3A = arith.constant 9.99999996E-13 : f32
    %max3A_9 = vector.broadcast %max3A : f32 to vector<4096x1xf32>
    %max3A_10 = arith.maximumf %sqrt3A, %max3A_9 : vector<4096x1xf32>
    %div3A = vector.broadcast %max3A_10 : vector<4096x1xf32> to vector<4096x256xf32>
    %div3A_11 = arith.divf %get3A_7, %div3A : vector<4096x256xf32>
    %get3A_12 = arith.constant 0 : index
    %get3A_13 = arith.constant 0 : index
    %get3A_14 = vector.load %arg2[%get3A_12, %get3A_13] : memref<256x256xf32, #tpu.memory_space<vmem>>, vector<256x256xf32>
    %mul3A_15 = arith.mulf %get3A_14, %get3A_14 : vector<256x256xf32>
    %reduce_sum3A_16 = arith.constant dense<0.000000e+00> : vector<256xf32>
    %reduce_sum3A_17 = vector.multi_reduction <add>, %mul3A_15, %reduce_sum3A_16 [1] : vector<256x256xf32> to vector<256xf32>
    %broadcast_in_dim3A_18 = vector.shape_cast %reduce_sum3A_17 : vector<256xf32> to vector<256x1xf32>
    %sqrt3A_19 = math.sqrt %broadcast_in_dim3A_18 : vector<256x1xf32>
    %max3A_20 = arith.constant 9.99999996E-13 : f32
    %max3A_21 = vector.broadcast %max3A_20 : f32 to vector<256x1xf32>
    %max3A_22 = arith.maximumf %sqrt3A_19, %max3A_21 : vector<256x1xf32>
    %div3A_23 = vector.broadcast %max3A_22 : vector<256x1xf32> to vector<256x256xf32>
    %div3A_24 = arith.divf %get3A_14, %div3A_23 : vector<256x256xf32>
    %dot_general3A = arith.constant dense<0.000000e+00> : vector<4096x256xf32>
    %dot_general3A_25 = tpu.matmul %div3A_11, %div3A_24, %dot_general3A {dimension_numbers = #tpu.dot_dimension_numbers<[1], [1], [0], [0], [0, 0, 1, 0], [], []>, transpose_lhs_hint = false} : vector<4096x256xf32>, vector<256x256xf32>, vector<4096x256xf32> -> vector<4096x256xf32>
    %get3A_26 = arith.constant 0 : index
    %get3A_27 = arith.constant 0 : index
    %get3A_28 = vector.load %arg3[%get3A_26, %get3A_27] : memref<4096x1xi32, #tpu.memory_space<vmem>>, vector<4096x1xi32>
    %get3A_29 = arith.constant 0 : index
    %get3A_30 = arith.constant 0 : index
    %get3A_31 = arith.constant 0 : index
    %get3A_32 = vector.load %arg5[%get3A_29, %get3A_30, %get3A_31] : memref<1x1x256xi32, #tpu.memory_space<vmem>>, vector<1x1x256xi32>
    %reshape3A_33 = vector.shape_cast %get3A_32 : vector<1x1x256xi32> to vector<1x256xi32>
    %eq3A = vector.broadcast %get3A_28 : vector<4096x1xi32> to vector<4096x256xi32>
    %eq3A_34 = vector.broadcast %reshape3A_33 : vector<1x256xi32> to vector<4096x256xi32>
    %eq3A_35 = arith.cmpi eq, %eq3A, %eq3A_34 : vector<4096x256xi32>
    %convert_element_type3A = arith.extui %eq3A_35 : vector<4096x256xi1> to vector<4096x256xi32>
    %convert_element_type3A_36 = arith.sitofp %convert_element_type3A : vector<4096x256xi32> to vector<4096x256xf32>
    %div3A_37 = arith.constant 5.000000e-02 : f32
    %div3A_38 = vector.broadcast %div3A_37 : f32 to vector<4096x256xf32>
    %div3A_39 = arith.divf %dot_general3A_25, %div3A_38 : vector<4096x256xf32>
    %reduce_max3A = arith.constant dense<0xFF800000> : vector<256xf32>
    %reduce_max3A_40 = vector.multi_reduction <maximumf>, %div3A_39, %reduce_max3A [0] : vector<4096x256xf32> to vector<256xf32>
    %broadcast_in_dim3A_41 = vector.shape_cast %reduce_max3A_40 : vector<256xf32> to vector<1x256xf32>
    %sub3A = vector.broadcast %broadcast_in_dim3A_41 : vector<1x256xf32> to vector<4096x256xf32>
    %sub3A_42 = arith.subf %div3A_39, %sub3A : vector<4096x256xf32>
    %exp3A = math.exp %sub3A_42 : vector<4096x256xf32>
    %reduce_sum3A_43 = arith.constant dense<0.000000e+00> : vector<256xf32>
    %reduce_sum3A_44 = vector.multi_reduction <add>, %exp3A, %reduce_sum3A_43 [0] : vector<4096x256xf32> to vector<256xf32>
    %broadcast_in_dim3A_45 = vector.shape_cast %reduce_sum3A_44 : vector<256xf32> to vector<1x256xf32>
    %mul3A_46 = arith.mulf %exp3A, %convert_element_type3A_36 : vector<4096x256xf32>
    %reduce_sum3A_47 = arith.constant dense<0.000000e+00> : vector<256xf32>
    %reduce_sum3A_48 = vector.multi_reduction <add>, %mul3A_46, %reduce_sum3A_47 [0] : vector<4096x256xf32> to vector<256xf32>
    %broadcast_in_dim3A_49 = vector.shape_cast %reduce_sum3A_48 : vector<256xf32> to vector<1x256xf32>
    %div3A_50 = arith.divf %broadcast_in_dim3A_49, %broadcast_in_dim3A_45 : vector<1x256xf32>
    %add3A = arith.constant 9.99999997E-7 : f32
    %add3A_51 = vector.broadcast %add3A : f32 to vector<1x256xf32>
    %add3A_52 = arith.addf %div3A_50, %add3A_51 : vector<1x256xf32>
    %log3A = math.log %add3A_52 : vector<1x256xf32>
    %broadcast_in_dim3A_53 = arith.constant 0.000000e+00 : f32
    %broadcast_in_dim3A_54 = vector.broadcast %broadcast_in_dim3A_53 : f32 to vector<1x256xf32>
    %select_n3A = arith.select %ne3A_4, %log3A, %broadcast_in_dim3A_54 : vector<1x256xi1>, vector<1x256xf32>
    %reduce_sum3A_55 = vector.shape_cast %select_n3A : vector<1x256xf32> to vector<1x1x256xf32>
    %reduce_sum3A_56 = arith.constant dense<0.000000e+00> : vector<1xf32>
    %reduce_sum3A_57 = vector.multi_reduction <add>, %reduce_sum3A_55, %reduce_sum3A_56 [1, 2] : vector<1x1x256xf32> to vector<1xf32>
    %reduce_sum3A_58 = vector.shape_cast %reduce_sum3A_57 : vector<1xf32> to vector<1x1x1xf32>
    %reduce_sum3A_59 = vector.extract %reduce_sum3A_58[0, 0, 0] : f32 from vector<1x1x1xf32>
    %eq3A_60 = arith.constant 0 : i32
    %eq3A_61 = arith.cmpi eq, %arg0, %eq3A_60 : i32
    %convert_element_type3A_62 = arith.extui %eq3A_61 : i1 to i32
    %cond3A = arith.constant 0 : i32
    %cond3A_63 = arith.cmpi ne, %convert_element_type3A_62, %cond3A : i32
    scf.if %cond3A_63 {
      %broadcast_in_dim3A_76 = arith.constant 0.000000e+00 : f32
      %broadcast_in_dim3A_77 = vector.broadcast %broadcast_in_dim3A_76 : f32 to vector<1x1xf32>
      %swap3A_78 = arith.constant 0 : index
      %swap3A_79 = arith.constant 0 : index
      %swap3A_80 = vector.load %arg6[%swap3A_78, %swap3A_79] : memref<1x1xf32, #tpu.memory_space<vmem>>, vector<1x1xf32>
      tpu.vector_store %arg6[%swap3A_78, %swap3A_79], %broadcast_in_dim3A_77 {strides = array<i32>} : memref<1x1xf32, #tpu.memory_space<vmem>>, vector<1x1xf32>,
    } else {
    }
    %get3A_64 = arith.constant 0 : index
    %get3A_65 = arith.constant 0 : index
    %get3A_66 = vector.load %arg6[%get3A_64, %get3A_65] : memref<1x1xf32, #tpu.memory_space<vmem>>, vector<1x1xf32>
    %add3A_67 = vector.broadcast %reduce_sum3A_59 : f32 to vector<1x1xf32>
    %add3A_68 = arith.addf %get3A_66, %add3A_67 : vector<1x1xf32>
    %swap3A = arith.constant 0 : index
    %swap3A_69 = arith.constant 0 : index
    %swap3A_70 = vector.load %arg6[%swap3A, %swap3A_69] : memref<1x1xf32, #tpu.memory_space<vmem>>, vector<1x1xf32>
    tpu.vector_store %arg6[%swap3A, %swap3A_69], %add3A_68 {strides = array<i32>} : memref<1x1xf32, #tpu.memory_space<vmem>>, vector<1x1xf32>,
    %eq3A_71 = arith.constant 7 : i32
    %eq3A_72 = arith.cmpi eq, %arg0, %eq3A_71 : i32
    %convert_element_type3A_73 = arith.extui %eq3A_72 : i1 to i32
    %cond3A_74 = arith.constant 0 : i32
    %cond3A_75 = arith.cmpi ne, %convert_element_type3A_73, %cond3A_74 : i32
    scf.if %cond3A_75 {
      %get3A_76 = arith.constant 0 : index
      %get3A_77 = arith.constant 0 : index
      %get3A_78 = vector.load %arg6[%get3A_76, %get3A_77] : memref<1x1xf32, #tpu.memory_space<vmem>>, vector<1x1xf32>
      %div3A_79 = arith.constant 5.120000e+02 : f32
      %div3A_80 = vector.broadcast %div3A_79 : f32 to vector<1x1xf32>
      %div3A_81 = arith.divf %get3A_78, %div3A_80 : vector<1x1xf32>
      %mul3A_82 = arith.constant -1.000000e+00 : f32
      %mul3A_83 = vector.broadcast %mul3A_82 : f32 to vector<1x1xf32>
      %mul3A_84 = arith.mulf %mul3A_83, %div3A_81 : vector<1x1xf32>
      %swap3A_85 = arith.constant 0 : index
      %swap3A_86 = arith.constant 0 : index
      %swap3A_87 = vector.load %arg6[%swap3A_85, %swap3A_86] : memref<1x1xf32, #tpu.memory_space<vmem>>, vector<1x1xf32>
      tpu.vector_store %arg6[%swap3A_85, %swap3A_86], %mul3A_84 {strides = array<i32>} : memref<1x1xf32, #tpu.memory_space<vmem>>, vector<1x1xf32>,
    } else {
    }
    return
  }
  func.func @transform_0(%arg0: i32) -> (i32, i32) {
    %c0_i32 = arith.constant 0 : i32
    %c0_i32_0 = arith.constant 0 : i32
    %c0_i32_1 = arith.constant 0 : i32
    return %c0_i32, %c0_i32_0 : i32, i32
  }
  func.func @transform_1(%arg0: i32) -> (i32, i32) {
    %c0_i32 = arith.constant 0 : i32
    %c0_i32_0 = arith.constant 0 : i32
    return %arg0, %c0_i32 : i32, i32
  }
  func.func @transform_2(%arg0: i32) -> (i32, i32) {
    %c0_i32 = arith.constant 0 : i32
    %c0_i32_0 = arith.constant 0 : i32
    %c0_i32_1 = arith.constant 0 : i32
    return %c0_i32, %c0_i32_0 : i32, i32
  }
  func.func @transform_3(%arg0: i32) -> (i32, i32, i32) {
    %c0_i32 = arith.constant 0 : i32
    %c0_i32_0 = arith.constant 0 : i32
    %c0_i32_1 = arith.constant 0 : i32
    return %arg0, %c0_i32, %c0_i32_0 : i32, i32, i32
  }
  func.func @transform_4(%arg0: i32) -> (i32, i32, i32) {
    %c0_i32 = arith.constant 0 : i32
    %c0_i32_0 = arith.constant 0 : i32
    %c0_i32_1 = arith.constant 0 : i32
    return %arg0, %c0_i32, %c0_i32_0 : i32, i32, i32
  }
  func.func @transform_5(%arg0: i32) -> (i32, i32) {
    %c0_i32 = arith.constant 0 : i32
    %c0_i32_0 = arith.constant 0 : i32
    %c0_i32_1 = arith.constant 0 : i32
    return %c0_i32, %c0_i32_0 : i32, i32
  }
}

module attributes {stable_mosaic.version = 14 : i64} {
  func.func @_phase1_kernel(%arg0: i32, %arg1: memref<4096x256xf32, #tpu.memory_space<vmem>>, %arg2: memref<256x256xf32, #tpu.memory_space<vmem>>, %arg3: memref<256x256xf32, #tpu.memory_space<vmem>>, %arg4: memref<4096x1xi32, #tpu.memory_space<vmem>>, %arg5: memref<1x4096xf32, #tpu.memory_space<vmem>>, %arg6: memref<1x1x256xi32, #tpu.memory_space<vmem>>, %arg7: memref<1x1x256xf32, #tpu.memory_space<vmem>>, %arg8: memref<1x1x256xi32, #tpu.memory_space<vmem>>, %arg9: memref<1x1xi32, #tpu.memory_space<vmem>>, %arg10: memref<4096x256xf32, #tpu.memory_space<vmem>>) attributes {dimension_semantics = [#tpu.dimension_semantics<arbitrary>], iteration_bounds = array<i64: 8>, scalar_prefetch = 0 : i64, scratch_operands = 1 : i64, tpu.core_type = #tpu.core_type<tc>, window_params = [{pipeline_mode = #tpu.pipeline_mode<synchronous>, transform_indices = @transform_0, window_bounds = array<i64: 4096, 256>}, {transform_indices = @transform_1, window_bounds = array<i64: 256, 256>}, {transform_indices = @transform_2, window_bounds = array<i64: 256, 256>}, {pipeline_mode = #tpu.pipeline_mode<synchronous>, transform_indices = @transform_3, window_bounds = array<i64: 4096, 1>}, {pipeline_mode = #tpu.pipeline_mode<synchronous>, transform_indices = @transform_4, window_bounds = array<i64: 1, 4096>}, {transform_indices = @transform_5, window_bounds = array<i64: 1, 1, 256>}, {transform_indices = @transform_6, window_bounds = array<i64: 1, 1, 256>}, {transform_indices = @transform_7, window_bounds = array<i64: 1, 1, 256>}, {pipeline_mode = #tpu.pipeline_mode<synchronous>, transform_indices = @transform_8, window_bounds = array<i64: 1, 1>}]} {
    %get3A = arith.constant 0 : index
    %get3A_0 = arith.constant 0 : index
    %get3A_1 = vector.load %arg1[%get3A, %get3A_0] : memref<4096x256xf32, #tpu.memory_space<vmem>>, vector<4096x256xf32>
    %mul3A = arith.mulf %get3A_1, %get3A_1 : vector<4096x256xf32>
    %reduce_sum3A = arith.constant dense<0.000000e+00> : vector<4096xf32>
    %reduce_sum3A_2 = vector.multi_reduction <add>, %mul3A, %reduce_sum3A [1] : vector<4096x256xf32> to vector<4096xf32>
    %broadcast_in_dim3A = vector.shape_cast %reduce_sum3A_2 : vector<4096xf32> to vector<4096x1xf32>
    %sqrt3A = math.sqrt %broadcast_in_dim3A : vector<4096x1xf32>
    %max3A = arith.constant 9.99999996E-13 : f32
    %max3A_3 = vector.broadcast %max3A : f32 to vector<4096x1xf32>
    %max3A_4 = arith.maximumf %sqrt3A, %max3A_3 : vector<4096x1xf32>
    %div3A = vector.broadcast %max3A_4 : vector<4096x1xf32> to vector<4096x256xf32>
    %div3A_5 = arith.divf %get3A_1, %div3A : vector<4096x256xf32>
    %get3A_6 = arith.constant 0 : index
    %get3A_7 = arith.constant 0 : index
    %get3A_8 = vector.load %arg2[%get3A_6, %get3A_7] : memref<256x256xf32, #tpu.memory_space<vmem>>, vector<256x256xf32>
    %mul3A_9 = arith.mulf %get3A_8, %get3A_8 : vector<256x256xf32>
    %reduce_sum3A_10 = arith.constant dense<0.000000e+00> : vector<256xf32>
    %reduce_sum3A_11 = vector.multi_reduction <add>, %mul3A_9, %reduce_sum3A_10 [1] : vector<256x256xf32> to vector<256xf32>
    %broadcast_in_dim3A_12 = vector.shape_cast %reduce_sum3A_11 : vector<256xf32> to vector<256x1xf32>
    %sqrt3A_13 = math.sqrt %broadcast_in_dim3A_12 : vector<256x1xf32>
    %max3A_14 = arith.constant 9.99999996E-13 : f32
    %max3A_15 = vector.broadcast %max3A_14 : f32 to vector<256x1xf32>
    %max3A_16 = arith.maximumf %sqrt3A_13, %max3A_15 : vector<256x1xf32>
    %div3A_17 = vector.broadcast %max3A_16 : vector<256x1xf32> to vector<256x256xf32>
    %div3A_18 = arith.divf %get3A_8, %div3A_17 : vector<256x256xf32>
    %get3A_19 = arith.constant 0 : index
    %get3A_20 = arith.constant 0 : index
    %get3A_21 = vector.load %arg3[%get3A_19, %get3A_20] : memref<256x256xf32, #tpu.memory_space<vmem>>, vector<256x256xf32>
    %mul3A_22 = arith.mulf %get3A_21, %get3A_21 : vector<256x256xf32>
    %reduce_sum3A_23 = arith.constant dense<0.000000e+00> : vector<256xf32>
    %reduce_sum3A_24 = vector.multi_reduction <add>, %mul3A_22, %reduce_sum3A_23 [1] : vector<256x256xf32> to vector<256xf32>
    %broadcast_in_dim3A_25 = vector.shape_cast %reduce_sum3A_24 : vector<256xf32> to vector<256x1xf32>
    %sqrt3A_26 = math.sqrt %broadcast_in_dim3A_25 : vector<256x1xf32>
    %max3A_27 = arith.constant 9.99999996E-13 : f32
    %max3A_28 = vector.broadcast %max3A_27 : f32 to vector<256x1xf32>
    %max3A_29 = arith.maximumf %sqrt3A_26, %max3A_28 : vector<256x1xf32>
    %div3A_30 = vector.broadcast %max3A_29 : vector<256x1xf32> to vector<256x256xf32>
    %div3A_31 = arith.divf %get3A_21, %div3A_30 : vector<256x256xf32>
    %dot_general3A = arith.constant dense<0.000000e+00> : vector<4096x256xf32>
    %dot_general3A_32 = tpu.matmul %div3A_5, %div3A_18, %dot_general3A {dimension_numbers = #tpu.dot_dimension_numbers<[1], [1], [0], [0], [0, 0, 1, 0], [], []>, transpose_lhs_hint = false} : vector<4096x256xf32>, vector<256x256xf32>, vector<4096x256xf32> -> vector<4096x256xf32>
    %dot_general3A_33 = arith.constant dense<0.000000e+00> : vector<4096x256xf32>
    %dot_general3A_34 = tpu.matmul %div3A_5, %div3A_31, %dot_general3A_33 {dimension_numbers = #tpu.dot_dimension_numbers<[1], [1], [0], [0], [0, 0, 1, 0], [], []>, transpose_lhs_hint = false} : vector<4096x256xf32>, vector<256x256xf32>, vector<4096x256xf32> -> vector<4096x256xf32>
    %get3A_35 = arith.constant 0 : index
    %get3A_36 = arith.constant 0 : index
    %get3A_37 = vector.load %arg4[%get3A_35, %get3A_36] : memref<4096x1xi32, #tpu.memory_space<vmem>>, vector<4096x1xi32>
    %get3A_38 = arith.constant 0 : index
    %get3A_39 = arith.constant 0 : index
    %get3A_40 = vector.load %arg5[%get3A_38, %get3A_39] : memref<1x4096xf32, #tpu.memory_space<vmem>>, vector<1x4096xf32>
    %broadcast_in_dim3A_41 = arith.constant 1.000000e+00 : f32
    %broadcast_in_dim3A_42 = vector.broadcast %broadcast_in_dim3A_41 : f32 to vector<1x4096xf32>
    %swap3A = arith.constant 0 : index
    %swap3A_43 = arith.constant 0 : index
    %swap3A_44 = vector.load %arg10[%swap3A, %swap3A_43] : memref<4096x256xf32, #tpu.memory_space<vmem>>, vector<4096x256xf32>
    tpu.vector_store %arg10[%swap3A, %swap3A_43], %dot_general3A_32 {strides = array<i32>} : memref<4096x256xf32, #tpu.memory_space<vmem>>, vector<4096x256xf32>,
    %get3A_45 = arith.constant 0 : index
    %get3A_46 = arith.constant 0 : index
    %get3A_47 = vector.load %arg10[%get3A_45, %get3A_46] : memref<4096x256xf32, #tpu.memory_space<vmem>>, vector<4096x256xf32>
    %reduce_max3A = arith.constant dense<0xFF800000> : vector<256xf32>
    %reduce_max3A_48 = vector.multi_reduction <maximumf>, %get3A_47, %reduce_max3A [0] : vector<4096x256xf32> to vector<256xf32>
    %broadcast_in_dim3A_49 = vector.shape_cast %reduce_max3A_48 : vector<256xf32> to vector<1x256xf32>
    %eq3A = arith.constant 0xFF800000 : f32
    %eq3A_50 = vector.broadcast %eq3A : f32 to vector<1x256xf32>
    %eq3A_51 = arith.cmpf oeq, %broadcast_in_dim3A_49, %eq3A_50 : vector<1x256xf32>
    %jit3A = arith.constant 0x7F800000 : f32
    %broadcast_in_dim3A_52 = vector.broadcast %jit3A : f32 to vector<1x256xf32>
    %select_n3A = arith.select %eq3A_51, %broadcast_in_dim3A_52, %broadcast_in_dim3A_49 : vector<1x256xi1>, vector<1x256xf32>
    %eq3A_53 = vector.broadcast %select_n3A : vector<1x256xf32> to vector<4096x256xf32>
    %eq3A_54 = arith.cmpf oeq, %get3A_47, %eq3A_53 : vector<4096x256xf32>
    %jit3A_55 = arith.constant 1.000000e+00 : f32
    %jit3A_56 = arith.constant 0.000000e+00 : f32
    %broadcast_in_dim3A_57 = vector.broadcast %jit3A_55 : f32 to vector<4096x256xf32>
    %broadcast_in_dim3A_58 = vector.broadcast %jit3A_56 : f32 to vector<4096x256xf32>
    %select_n3A_59 = arith.select %eq3A_54, %broadcast_in_dim3A_57, %broadcast_in_dim3A_58 : vector<4096x256xi1>, vector<4096x256xf32>
    %dot_general3A_60 = arith.constant dense<0.000000e+00> : vector<1x256xf32>
    %dot_general3A_61 = tpu.matmul %get3A_40, %select_n3A_59, %dot_general3A_60 {dimension_numbers = #tpu.dot_dimension_numbers<[1], [0], [0], [1], [0, 0, 1, 1], [], []>, transpose_lhs_hint = false} : vector<1x4096xf32>, vector<4096x256xf32>, vector<1x256xf32> -> vector<1x256xf32>
    %jit3A_62 = arith.constant 0xFF800000 : f32
    %broadcast_in_dim3A_63 = vector.broadcast %jit3A_62 : f32 to vector<4096x256xf32>
    %select_n3A_64 = arith.select %eq3A_54, %broadcast_in_dim3A_63, %get3A_47 : vector<4096x256xi1>, vector<4096x256xf32>
    %swap3A_65 = arith.constant 0 : index
    %swap3A_66 = arith.constant 0 : index
    %swap3A_67 = vector.load %arg10[%swap3A_65, %swap3A_66] : memref<4096x256xf32, #tpu.memory_space<vmem>>, vector<4096x256xf32>
    tpu.vector_store %arg10[%swap3A_65, %swap3A_66], %select_n3A_64 {strides = array<i32>} : memref<4096x256xf32, #tpu.memory_space<vmem>>, vector<4096x256xf32>,
    %get3A_68 = arith.constant 0 : index
    %get3A_69 = arith.constant 0 : index
    %get3A_70 = vector.load %arg10[%get3A_68, %get3A_69] : memref<4096x256xf32, #tpu.memory_space<vmem>>, vector<4096x256xf32>
    %reduce_max3A_71 = arith.constant dense<0xFF800000> : vector<256xf32>
    %reduce_max3A_72 = vector.multi_reduction <maximumf>, %get3A_70, %reduce_max3A_71 [0] : vector<4096x256xf32> to vector<256xf32>
    %broadcast_in_dim3A_73 = vector.shape_cast %reduce_max3A_72 : vector<256xf32> to vector<1x256xf32>
    %eq3A_74 = arith.constant 0xFF800000 : f32
    %eq3A_75 = vector.broadcast %eq3A_74 : f32 to vector<1x256xf32>
    %eq3A_76 = arith.cmpf oeq, %broadcast_in_dim3A_73, %eq3A_75 : vector<1x256xf32>
    %jit3A_77 = arith.constant 0x7F800000 : f32
    %broadcast_in_dim3A_78 = vector.broadcast %jit3A_77 : f32 to vector<1x256xf32>
    %select_n3A_79 = arith.select %eq3A_76, %broadcast_in_dim3A_78, %broadcast_in_dim3A_73 : vector<1x256xi1>, vector<1x256xf32>
    %eq3A_80 = vector.broadcast %select_n3A_79 : vector<1x256xf32> to vector<4096x256xf32>
    %eq3A_81 = arith.cmpf oeq, %get3A_70, %eq3A_80 : vector<4096x256xf32>
    %jit3A_82 = arith.constant 1.000000e+00 : f32
    %jit3A_83 = arith.constant 0.000000e+00 : f32
    %broadcast_in_dim3A_84 = vector.broadcast %jit3A_82 : f32 to vector<4096x256xf32>
    %broadcast_in_dim3A_85 = vector.broadcast %jit3A_83 : f32 to vector<4096x256xf32>
    %select_n3A_86 = arith.select %eq3A_81, %broadcast_in_dim3A_84, %broadcast_in_dim3A_85 : vector<4096x256xi1>, vector<4096x256xf32>
    %dot_general3A_87 = arith.constant dense<0.000000e+00> : vector<1x256xf32>
    %dot_general3A_88 = tpu.matmul %get3A_40, %select_n3A_86, %dot_general3A_87 {dimension_numbers = #tpu.dot_dimension_numbers<[1], [0], [0], [1], [0, 0, 1, 1], [], []>, transpose_lhs_hint = false} : vector<1x4096xf32>, vector<4096x256xf32>, vector<1x256xf32> -> vector<1x256xf32>
    %jit3A_89 = arith.constant 0xFF800000 : f32
    %broadcast_in_dim3A_90 = vector.broadcast %jit3A_89 : f32 to vector<4096x256xf32>
    %select_n3A_91 = arith.select %eq3A_81, %broadcast_in_dim3A_90, %get3A_70 : vector<4096x256xi1>, vector<4096x256xf32>
    %swap3A_92 = arith.constant 0 : index
    %swap3A_93 = arith.constant 0 : index
    %swap3A_94 = vector.load %arg10[%swap3A_92, %swap3A_93] : memref<4096x256xf32, #tpu.memory_space<vmem>>, vector<4096x256xf32>
    tpu.vector_store %arg10[%swap3A_92, %swap3A_93], %select_n3A_91 {strides = array<i32>} : memref<4096x256xf32, #tpu.memory_space<vmem>>, vector<4096x256xf32>,
    %get3A_95 = arith.constant 0 : index
    %get3A_96 = arith.constant 0 : index
    %get3A_97 = vector.load %arg10[%get3A_95, %get3A_96] : memref<4096x256xf32, #tpu.memory_space<vmem>>, vector<4096x256xf32>
    %reduce_max3A_98 = arith.constant dense<0xFF800000> : vector<256xf32>
    %reduce_max3A_99 = vector.multi_reduction <maximumf>, %get3A_97, %reduce_max3A_98 [0] : vector<4096x256xf32> to vector<256xf32>
    %broadcast_in_dim3A_100 = vector.shape_cast %reduce_max3A_99 : vector<256xf32> to vector<1x256xf32>
    %eq3A_101 = arith.constant 0xFF800000 : f32
    %eq3A_102 = vector.broadcast %eq3A_101 : f32 to vector<1x256xf32>
    %eq3A_103 = arith.cmpf oeq, %broadcast_in_dim3A_100, %eq3A_102 : vector<1x256xf32>
    %jit3A_104 = arith.constant 0x7F800000 : f32
    %broadcast_in_dim3A_105 = vector.broadcast %jit3A_104 : f32 to vector<1x256xf32>
    %select_n3A_106 = arith.select %eq3A_103, %broadcast_in_dim3A_105, %broadcast_in_dim3A_100 : vector<1x256xi1>, vector<1x256xf32>
    %eq3A_107 = vector.broadcast %select_n3A_106 : vector<1x256xf32> to vector<4096x256xf32>
    %eq3A_108 = arith.cmpf oeq, %get3A_97, %eq3A_107 : vector<4096x256xf32>
    %jit3A_109 = arith.constant 1.000000e+00 : f32
    %jit3A_110 = arith.constant 0.000000e+00 : f32
    %broadcast_in_dim3A_111 = vector.broadcast %jit3A_109 : f32 to vector<4096x256xf32>
    %broadcast_in_dim3A_112 = vector.broadcast %jit3A_110 : f32 to vector<4096x256xf32>
    %select_n3A_113 = arith.select %eq3A_108, %broadcast_in_dim3A_111, %broadcast_in_dim3A_112 : vector<4096x256xi1>, vector<4096x256xf32>
    %dot_general3A_114 = arith.constant dense<0.000000e+00> : vector<1x256xf32>
    %dot_general3A_115 = tpu.matmul %get3A_40, %select_n3A_113, %dot_general3A_114 {dimension_numbers = #tpu.dot_dimension_numbers<[1], [0], [0], [1], [0, 0, 1, 1], [], []>, transpose_lhs_hint = false} : vector<1x4096xf32>, vector<4096x256xf32>, vector<1x256xf32> -> vector<1x256xf32>
    %jit3A_116 = arith.constant 0xFF800000 : f32
    %broadcast_in_dim3A_117 = vector.broadcast %jit3A_116 : f32 to vector<4096x256xf32>
    %select_n3A_118 = arith.select %eq3A_108, %broadcast_in_dim3A_117, %get3A_97 : vector<4096x256xi1>, vector<4096x256xf32>
    %swap3A_119 = arith.constant 0 : index
    %swap3A_120 = arith.constant 0 : index
    %swap3A_121 = vector.load %arg10[%swap3A_119, %swap3A_120] : memref<4096x256xf32, #tpu.memory_space<vmem>>, vector<4096x256xf32>
    tpu.vector_store %arg10[%swap3A_119, %swap3A_120], %select_n3A_118 {strides = array<i32>} : memref<4096x256xf32, #tpu.memory_space<vmem>>, vector<4096x256xf32>,
    %get3A_122 = arith.constant 0 : index
    %get3A_123 = arith.constant 0 : index
    %get3A_124 = vector.load %arg10[%get3A_122, %get3A_123] : memref<4096x256xf32, #tpu.memory_space<vmem>>, vector<4096x256xf32>
    %reduce_max3A_125 = arith.constant dense<0xFF800000> : vector<256xf32>
    %reduce_max3A_126 = vector.multi_reduction <maximumf>, %get3A_124, %reduce_max3A_125 [0] : vector<4096x256xf32> to vector<256xf32>
    %broadcast_in_dim3A_127 = vector.shape_cast %reduce_max3A_126 : vector<256xf32> to vector<1x256xf32>
    %eq3A_128 = arith.constant 0xFF800000 : f32
    %eq3A_129 = vector.broadcast %eq3A_128 : f32 to vector<1x256xf32>
    %eq3A_130 = arith.cmpf oeq, %broadcast_in_dim3A_127, %eq3A_129 : vector<1x256xf32>
    %jit3A_131 = arith.constant 0x7F800000 : f32
    %broadcast_in_dim3A_132 = vector.broadcast %jit3A_131 : f32 to vector<1x256xf32>
    %select_n3A_133 = arith.select %eq3A_130, %broadcast_in_dim3A_132, %broadcast_in_dim3A_127 : vector<1x256xi1>, vector<1x256xf32>
    %eq3A_134 = vector.broadcast %select_n3A_133 : vector<1x256xf32> to vector<4096x256xf32>
    %eq3A_135 = arith.cmpf oeq, %get3A_124, %eq3A_134 : vector<4096x256xf32>
    %jit3A_136 = arith.constant 1.000000e+00 : f32
    %jit3A_137 = arith.constant 0.000000e+00 : f32
    %broadcast_in_dim3A_138 = vector.broadcast %jit3A_136 : f32 to vector<4096x256xf32>
    %broadcast_in_dim3A_139 = vector.broadcast %jit3A_137 : f32 to vector<4096x256xf32>
    %select_n3A_140 = arith.select %eq3A_135, %broadcast_in_dim3A_138, %broadcast_in_dim3A_139 : vector<4096x256xi1>, vector<4096x256xf32>
    %dot_general3A_141 = arith.constant dense<0.000000e+00> : vector<1x256xf32>
    %dot_general3A_142 = tpu.matmul %get3A_40, %select_n3A_140, %dot_general3A_141 {dimension_numbers = #tpu.dot_dimension_numbers<[1], [0], [0], [1], [0, 0, 1, 1], [], []>, transpose_lhs_hint = false} : vector<1x4096xf32>, vector<4096x256xf32>, vector<1x256xf32> -> vector<1x256xf32>
    %jit3A_143 = arith.constant 0xFF800000 : f32
    %broadcast_in_dim3A_144 = vector.broadcast %jit3A_143 : f32 to vector<4096x256xf32>
    %select_n3A_145 = arith.select %eq3A_135, %broadcast_in_dim3A_144, %get3A_124 : vector<4096x256xi1>, vector<4096x256xf32>
    %swap3A_146 = arith.constant 0 : index
    %swap3A_147 = arith.constant 0 : index
    %swap3A_148 = vector.load %arg10[%swap3A_146, %swap3A_147] : memref<4096x256xf32, #tpu.memory_space<vmem>>, vector<4096x256xf32>
    tpu.vector_store %arg10[%swap3A_146, %swap3A_147], %select_n3A_145 {strides = array<i32>} : memref<4096x256xf32, #tpu.memory_space<vmem>>, vector<4096x256xf32>,
    %get3A_149 = arith.constant 0 : index
    %get3A_150 = arith.constant 0 : index
    %get3A_151 = vector.load %arg10[%get3A_149, %get3A_150] : memref<4096x256xf32, #tpu.memory_space<vmem>>, vector<4096x256xf32>
    %reduce_max3A_152 = arith.constant dense<0xFF800000> : vector<256xf32>
    %reduce_max3A_153 = vector.multi_reduction <maximumf>, %get3A_151, %reduce_max3A_152 [0] : vector<4096x256xf32> to vector<256xf32>
    %broadcast_in_dim3A_154 = vector.shape_cast %reduce_max3A_153 : vector<256xf32> to vector<1x256xf32>
    %eq3A_155 = arith.constant 0xFF800000 : f32
    %eq3A_156 = vector.broadcast %eq3A_155 : f32 to vector<1x256xf32>
    %eq3A_157 = arith.cmpf oeq, %broadcast_in_dim3A_154, %eq3A_156 : vector<1x256xf32>
    %jit3A_158 = arith.constant 0x7F800000 : f32
    %broadcast_in_dim3A_159 = vector.broadcast %jit3A_158 : f32 to vector<1x256xf32>
    %select_n3A_160 = arith.select %eq3A_157, %broadcast_in_dim3A_159, %broadcast_in_dim3A_154 : vector<1x256xi1>, vector<1x256xf32>
    %eq3A_161 = vector.broadcast %select_n3A_160 : vector<1x256xf32> to vector<4096x256xf32>
    %eq3A_162 = arith.cmpf oeq, %get3A_151, %eq3A_161 : vector<4096x256xf32>
    %jit3A_163 = arith.constant 1.000000e+00 : f32
    %jit3A_164 = arith.constant 0.000000e+00 : f32
    %broadcast_in_dim3A_165 = vector.broadcast %jit3A_163 : f32 to vector<4096x256xf32>
    %broadcast_in_dim3A_166 = vector.broadcast %jit3A_164 : f32 to vector<4096x256xf32>
    %select_n3A_167 = arith.select %eq3A_162, %broadcast_in_dim3A_165, %broadcast_in_dim3A_166 : vector<4096x256xi1>, vector<4096x256xf32>
    %dot_general3A_168 = arith.constant dense<0.000000e+00> : vector<1x256xf32>
    %dot_general3A_169 = tpu.matmul %get3A_40, %select_n3A_167, %dot_general3A_168 {dimension_numbers = #tpu.dot_dimension_numbers<[1], [0], [0], [1], [0, 0, 1, 1], [], []>, transpose_lhs_hint = false} : vector<1x4096xf32>, vector<4096x256xf32>, vector<1x256xf32> -> vector<1x256xf32>
    %jit3A_170 = arith.constant 0xFF800000 : f32
    %broadcast_in_dim3A_171 = vector.broadcast %jit3A_170 : f32 to vector<4096x256xf32>
    %select_n3A_172 = arith.select %eq3A_162, %broadcast_in_dim3A_171, %get3A_151 : vector<4096x256xi1>, vector<4096x256xf32>
    %swap3A_173 = arith.constant 0 : index
    %swap3A_174 = arith.constant 0 : index
    %swap3A_175 = vector.load %arg10[%swap3A_173, %swap3A_174] : memref<4096x256xf32, #tpu.memory_space<vmem>>, vector<4096x256xf32>
    tpu.vector_store %arg10[%swap3A_173, %swap3A_174], %select_n3A_172 {strides = array<i32>} : memref<4096x256xf32, #tpu.memory_space<vmem>>, vector<4096x256xf32>,
    %broadcast_in_dim3A_176 = arith.constant 0.000000e+00 : f32
    %broadcast_in_dim3A_177 = vector.broadcast %broadcast_in_dim3A_176 : f32 to vector<1x256xf32>
    %eq3A_178 = arith.cmpf oeq, %dot_general3A_61, %dot_general3A_61 : vector<1x256xf32>
    %convert_element_type3A = arith.extui %eq3A_178 : vector<1x256xi1> to vector<1x256xi32>
    %convert_element_type3A_179 = arith.sitofp %convert_element_type3A : vector<1x256xi32> to vector<1x256xf32>
    %add3A = arith.addf %broadcast_in_dim3A_177, %convert_element_type3A_179 : vector<1x256xf32>
    %eq3A_180 = arith.cmpf oeq, %dot_general3A_61, %dot_general3A_88 : vector<1x256xf32>
    %convert_element_type3A_181 = arith.extui %eq3A_180 : vector<1x256xi1> to vector<1x256xi32>
    %convert_element_type3A_182 = arith.sitofp %convert_element_type3A_181 : vector<1x256xi32> to vector<1x256xf32>
    %add3A_183 = arith.addf %add3A, %convert_element_type3A_182 : vector<1x256xf32>
    %eq3A_184 = arith.cmpf oeq, %dot_general3A_61, %dot_general3A_115 : vector<1x256xf32>
    %convert_element_type3A_185 = arith.extui %eq3A_184 : vector<1x256xi1> to vector<1x256xi32>
    %convert_element_type3A_186 = arith.sitofp %convert_element_type3A_185 : vector<1x256xi32> to vector<1x256xf32>
    %add3A_187 = arith.addf %add3A_183, %convert_element_type3A_186 : vector<1x256xf32>
    %eq3A_188 = arith.cmpf oeq, %dot_general3A_61, %dot_general3A_142 : vector<1x256xf32>
    %convert_element_type3A_189 = arith.extui %eq3A_188 : vector<1x256xi1> to vector<1x256xi32>
    %convert_element_type3A_190 = arith.sitofp %convert_element_type3A_189 : vector<1x256xi32> to vector<1x256xf32>
    %add3A_191 = arith.addf %add3A_187, %convert_element_type3A_190 : vector<1x256xf32>
    %eq3A_192 = arith.cmpf oeq, %dot_general3A_61, %dot_general3A_169 : vector<1x256xf32>
    %convert_element_type3A_193 = arith.extui %eq3A_192 : vector<1x256xi1> to vector<1x256xi32>
    %convert_element_type3A_194 = arith.sitofp %convert_element_type3A_193 : vector<1x256xi32> to vector<1x256xf32>
    %add3A_195 = arith.addf %add3A_191, %convert_element_type3A_194 : vector<1x256xf32>
    %broadcast_in_dim3A_196 = arith.constant 0.000000e+00 : f32
    %broadcast_in_dim3A_197 = vector.broadcast %broadcast_in_dim3A_196 : f32 to vector<1x256xf32>
    %eq3A_198 = arith.cmpf oeq, %dot_general3A_88, %dot_general3A_61 : vector<1x256xf32>
    %convert_element_type3A_199 = arith.extui %eq3A_198 : vector<1x256xi1> to vector<1x256xi32>
    %convert_element_type3A_200 = arith.sitofp %convert_element_type3A_199 : vector<1x256xi32> to vector<1x256xf32>
    %add3A_201 = arith.addf %broadcast_in_dim3A_197, %convert_element_type3A_200 : vector<1x256xf32>
    %eq3A_202 = arith.cmpf oeq, %dot_general3A_88, %dot_general3A_88 : vector<1x256xf32>
    %convert_element_type3A_203 = arith.extui %eq3A_202 : vector<1x256xi1> to vector<1x256xi32>
    %convert_element_type3A_204 = arith.sitofp %convert_element_type3A_203 : vector<1x256xi32> to vector<1x256xf32>
    %add3A_205 = arith.addf %add3A_201, %convert_element_type3A_204 : vector<1x256xf32>
    %eq3A_206 = arith.cmpf oeq, %dot_general3A_88, %dot_general3A_115 : vector<1x256xf32>
    %convert_element_type3A_207 = arith.extui %eq3A_206 : vector<1x256xi1> to vector<1x256xi32>
    %convert_element_type3A_208 = arith.sitofp %convert_element_type3A_207 : vector<1x256xi32> to vector<1x256xf32>
    %add3A_209 = arith.addf %add3A_205, %convert_element_type3A_208 : vector<1x256xf32>
    %eq3A_210 = arith.cmpf oeq, %dot_general3A_88, %dot_general3A_142 : vector<1x256xf32>
    %convert_element_type3A_211 = arith.extui %eq3A_210 : vector<1x256xi1> to vector<1x256xi32>
    %convert_element_type3A_212 = arith.sitofp %convert_element_type3A_211 : vector<1x256xi32> to vector<1x256xf32>
    %add3A_213 = arith.addf %add3A_209, %convert_element_type3A_212 : vector<1x256xf32>
    %eq3A_214 = arith.cmpf oeq, %dot_general3A_88, %dot_general3A_169 : vector<1x256xf32>
    %convert_element_type3A_215 = arith.extui %eq3A_214 : vector<1x256xi1> to vector<1x256xi32>
    %convert_element_type3A_216 = arith.sitofp %convert_element_type3A_215 : vector<1x256xi32> to vector<1x256xf32>
    %add3A_217 = arith.addf %add3A_213, %convert_element_type3A_216 : vector<1x256xf32>
    %broadcast_in_dim3A_218 = arith.constant 0.000000e+00 : f32
    %broadcast_in_dim3A_219 = vector.broadcast %broadcast_in_dim3A_218 : f32 to vector<1x256xf32>
    %eq3A_220 = arith.cmpf oeq, %dot_general3A_115, %dot_general3A_61 : vector<1x256xf32>
    %convert_element_type3A_221 = arith.extui %eq3A_220 : vector<1x256xi1> to vector<1x256xi32>
    %convert_element_type3A_222 = arith.sitofp %convert_element_type3A_221 : vector<1x256xi32> to vector<1x256xf32>
    %add3A_223 = arith.addf %broadcast_in_dim3A_219, %convert_element_type3A_222 : vector<1x256xf32>
    %eq3A_224 = arith.cmpf oeq, %dot_general3A_115, %dot_general3A_88 : vector<1x256xf32>
    %convert_element_type3A_225 = arith.extui %eq3A_224 : vector<1x256xi1> to vector<1x256xi32>
    %convert_element_type3A_226 = arith.sitofp %convert_element_type3A_225 : vector<1x256xi32> to vector<1x256xf32>
    %add3A_227 = arith.addf %add3A_223, %convert_element_type3A_226 : vector<1x256xf32>
    %eq3A_228 = arith.cmpf oeq, %dot_general3A_115, %dot_general3A_115 : vector<1x256xf32>
    %convert_element_type3A_229 = arith.extui %eq3A_228 : vector<1x256xi1> to vector<1x256xi32>
    %convert_element_type3A_230 = arith.sitofp %convert_element_type3A_229 : vector<1x256xi32> to vector<1x256xf32>
    %add3A_231 = arith.addf %add3A_227, %convert_element_type3A_230 : vector<1x256xf32>
    %eq3A_232 = arith.cmpf oeq, %dot_general3A_115, %dot_general3A_142 : vector<1x256xf32>
    %convert_element_type3A_233 = arith.extui %eq3A_232 : vector<1x256xi1> to vector<1x256xi32>
    %convert_element_type3A_234 = arith.sitofp %convert_element_type3A_233 : vector<1x256xi32> to vector<1x256xf32>
    %add3A_235 = arith.addf %add3A_231, %convert_element_type3A_234 : vector<1x256xf32>
    %eq3A_236 = arith.cmpf oeq, %dot_general3A_115, %dot_general3A_169 : vector<1x256xf32>
    %convert_element_type3A_237 = arith.extui %eq3A_236 : vector<1x256xi1> to vector<1x256xi32>
    %convert_element_type3A_238 = arith.sitofp %convert_element_type3A_237 : vector<1x256xi32> to vector<1x256xf32>
    %add3A_239 = arith.addf %add3A_235, %convert_element_type3A_238 : vector<1x256xf32>
    %broadcast_in_dim3A_240 = arith.constant 0.000000e+00 : f32
    %broadcast_in_dim3A_241 = vector.broadcast %broadcast_in_dim3A_240 : f32 to vector<1x256xf32>
    %eq3A_242 = arith.cmpf oeq, %dot_general3A_142, %dot_general3A_61 : vector<1x256xf32>
    %convert_element_type3A_243 = arith.extui %eq3A_242 : vector<1x256xi1> to vector<1x256xi32>
    %convert_element_type3A_244 = arith.sitofp %convert_element_type3A_243 : vector<1x256xi32> to vector<1x256xf32>
    %add3A_245 = arith.addf %broadcast_in_dim3A_241, %convert_element_type3A_244 : vector<1x256xf32>
    %eq3A_246 = arith.cmpf oeq, %dot_general3A_142, %dot_general3A_88 : vector<1x256xf32>
    %convert_element_type3A_247 = arith.extui %eq3A_246 : vector<1x256xi1> to vector<1x256xi32>
    %convert_element_type3A_248 = arith.sitofp %convert_element_type3A_247 : vector<1x256xi32> to vector<1x256xf32>
    %add3A_249 = arith.addf %add3A_245, %convert_element_type3A_248 : vector<1x256xf32>
    %eq3A_250 = arith.cmpf oeq, %dot_general3A_142, %dot_general3A_115 : vector<1x256xf32>
    %convert_element_type3A_251 = arith.extui %eq3A_250 : vector<1x256xi1> to vector<1x256xi32>
    %convert_element_type3A_252 = arith.sitofp %convert_element_type3A_251 : vector<1x256xi32> to vector<1x256xf32>
    %add3A_253 = arith.addf %add3A_249, %convert_element_type3A_252 : vector<1x256xf32>
    %eq3A_254 = arith.cmpf oeq, %dot_general3A_142, %dot_general3A_142 : vector<1x256xf32>
    %convert_element_type3A_255 = arith.extui %eq3A_254 : vector<1x256xi1> to vector<1x256xi32>
    %convert_element_type3A_256 = arith.sitofp %convert_element_type3A_255 : vector<1x256xi32> to vector<1x256xf32>
    %add3A_257 = arith.addf %add3A_253, %convert_element_type3A_256 : vector<1x256xf32>
    %eq3A_258 = arith.cmpf oeq, %dot_general3A_142, %dot_general3A_169 : vector<1x256xf32>
    %convert_element_type3A_259 = arith.extui %eq3A_258 : vector<1x256xi1> to vector<1x256xi32>
    %convert_element_type3A_260 = arith.sitofp %convert_element_type3A_259 : vector<1x256xi32> to vector<1x256xf32>
    %add3A_261 = arith.addf %add3A_257, %convert_element_type3A_260 : vector<1x256xf32>
    %broadcast_in_dim3A_262 = arith.constant 0.000000e+00 : f32
    %broadcast_in_dim3A_263 = vector.broadcast %broadcast_in_dim3A_262 : f32 to vector<1x256xf32>
    %eq3A_264 = arith.cmpf oeq, %dot_general3A_169, %dot_general3A_61 : vector<1x256xf32>
    %convert_element_type3A_265 = arith.extui %eq3A_264 : vector<1x256xi1> to vector<1x256xi32>
    %convert_element_type3A_266 = arith.sitofp %convert_element_type3A_265 : vector<1x256xi32> to vector<1x256xf32>
    %add3A_267 = arith.addf %broadcast_in_dim3A_263, %convert_element_type3A_266 : vector<1x256xf32>
    %eq3A_268 = arith.cmpf oeq, %dot_general3A_169, %dot_general3A_88 : vector<1x256xf32>
    %convert_element_type3A_269 = arith.extui %eq3A_268 : vector<1x256xi1> to vector<1x256xi32>
    %convert_element_type3A_270 = arith.sitofp %convert_element_type3A_269 : vector<1x256xi32> to vector<1x256xf32>
    %add3A_271 = arith.addf %add3A_267, %convert_element_type3A_270 : vector<1x256xf32>
    %eq3A_272 = arith.cmpf oeq, %dot_general3A_169, %dot_general3A_115 : vector<1x256xf32>
    %convert_element_type3A_273 = arith.extui %eq3A_272 : vector<1x256xi1> to vector<1x256xi32>
    %convert_element_type3A_274 = arith.sitofp %convert_element_type3A_273 : vector<1x256xi32> to vector<1x256xf32>
    %add3A_275 = arith.addf %add3A_271, %convert_element_type3A_274 : vector<1x256xf32>
    %eq3A_276 = arith.cmpf oeq, %dot_general3A_169, %dot_general3A_142 : vector<1x256xf32>
    %convert_element_type3A_277 = arith.extui %eq3A_276 : vector<1x256xi1> to vector<1x256xi32>
    %convert_element_type3A_278 = arith.sitofp %convert_element_type3A_277 : vector<1x256xi32> to vector<1x256xf32>
    %add3A_279 = arith.addf %add3A_275, %convert_element_type3A_278 : vector<1x256xf32>
    %eq3A_280 = arith.cmpf oeq, %dot_general3A_169, %dot_general3A_169 : vector<1x256xf32>
    %convert_element_type3A_281 = arith.extui %eq3A_280 : vector<1x256xi1> to vector<1x256xi32>
    %convert_element_type3A_282 = arith.sitofp %convert_element_type3A_281 : vector<1x256xi32> to vector<1x256xf32>
    %add3A_283 = arith.addf %add3A_279, %convert_element_type3A_282 : vector<1x256xf32>
    %max3A_284 = arith.maximumf %add3A_195, %add3A_217 : vector<1x256xf32>
    %max3A_285 = arith.maximumf %max3A_284, %add3A_239 : vector<1x256xf32>
    %max3A_286 = arith.maximumf %max3A_285, %add3A_261 : vector<1x256xf32>
    %max3A_287 = arith.maximumf %max3A_286, %add3A_283 : vector<1x256xf32>
    %eq3A_288 = arith.cmpf oeq, %add3A_195, %max3A_287 : vector<1x256xf32>
    %jit3A_289 = arith.constant 1.000000e+09 : f32
    %broadcast_in_dim3A_290 = vector.broadcast %jit3A_289 : f32 to vector<1x256xf32>
    %select_n3A_291 = arith.select %eq3A_288, %dot_general3A_61, %broadcast_in_dim3A_290 : vector<1x256xi1>, vector<1x256xf32>
    %eq3A_292 = arith.cmpf oeq, %add3A_217, %max3A_287 : vector<1x256xf32>
    %jit3A_293 = arith.constant 1.000000e+09 : f32
    %broadcast_in_dim3A_294 = vector.broadcast %jit3A_293 : f32 to vector<1x256xf32>
    %select_n3A_295 = arith.select %eq3A_292, %dot_general3A_88, %broadcast_in_dim3A_294 : vector<1x256xi1>, vector<1x256xf32>
    %eq3A_296 = arith.cmpf oeq, %add3A_239, %max3A_287 : vector<1x256xf32>
    %jit3A_297 = arith.constant 1.000000e+09 : f32
    %broadcast_in_dim3A_298 = vector.broadcast %jit3A_297 : f32 to vector<1x256xf32>
    %select_n3A_299 = arith.select %eq3A_296, %dot_general3A_115, %broadcast_in_dim3A_298 : vector<1x256xi1>, vector<1x256xf32>
    %eq3A_300 = arith.cmpf oeq, %add3A_261, %max3A_287 : vector<1x256xf32>
    %jit3A_301 = arith.constant 1.000000e+09 : f32
    %broadcast_in_dim3A_302 = vector.broadcast %jit3A_301 : f32 to vector<1x256xf32>
    %select_n3A_303 = arith.select %eq3A_300, %dot_general3A_142, %broadcast_in_dim3A_302 : vector<1x256xi1>, vector<1x256xf32>
    %eq3A_304 = arith.cmpf oeq, %add3A_283, %max3A_287 : vector<1x256xf32>
    %jit3A_305 = arith.constant 1.000000e+09 : f32
    %broadcast_in_dim3A_306 = vector.broadcast %jit3A_305 : f32 to vector<1x256xf32>
    %select_n3A_307 = arith.select %eq3A_304, %dot_general3A_169, %broadcast_in_dim3A_306 : vector<1x256xi1>, vector<1x256xf32>
    %min3A = arith.minimumf %select_n3A_291, %select_n3A_295 : vector<1x256xf32>
    %min3A_308 = arith.minimumf %min3A, %select_n3A_299 : vector<1x256xf32>
    %min3A_309 = arith.minimumf %min3A_308, %select_n3A_303 : vector<1x256xf32>
    %min3A_310 = arith.minimumf %min3A_309, %select_n3A_307 : vector<1x256xf32>
    %convert_element_type3A_311 = arith.fptosi %min3A_310 : vector<1x256xf32> to vector<1x256xi32>
    %get3A_312 = arith.constant 0 : index
    %get3A_313 = arith.constant 0 : index
    %get3A_314 = arith.constant 0 : index
    %get3A_315 = vector.load %arg6[%get3A_312, %get3A_313, %get3A_314] : memref<1x1x256xi32, #tpu.memory_space<vmem>>, vector<1x1x256xi32>
    %reshape3A = vector.shape_cast %get3A_315 : vector<1x1x256xi32> to vector<1x256xi32>
    %eq3A_316 = arith.cmpi eq, %convert_element_type3A_311, %reshape3A : vector<1x256xi32>
    %convert_element_type3A_317 = arith.extui %eq3A_316 : vector<1x256xi1> to vector<1x256xi32>
    %reduce_sum3A_318 = vector.shape_cast %convert_element_type3A_317 : vector<1x256xi32> to vector<1x1x256xi32>
    %reduce_sum3A_319 = arith.constant dense<0> : vector<1xi32>
    %reduce_sum3A_320 = vector.multi_reduction <add>, %reduce_sum3A_318, %reduce_sum3A_319 [1, 2] : vector<1x1x256xi32> to vector<1xi32>
    %reduce_sum3A_321 = vector.shape_cast %reduce_sum3A_320 : vector<1xi32> to vector<1x1x1xi32>
    %reduce_sum3A_322 = vector.extract %reduce_sum3A_321[0, 0, 0] : i32 from vector<1x1x1xi32>
    %eq3A_323 = vector.broadcast %get3A_37 : vector<4096x1xi32> to vector<4096x256xi32>
    %eq3A_324 = vector.broadcast %convert_element_type3A_311 : vector<1x256xi32> to vector<4096x256xi32>
    %eq3A_325 = arith.cmpi eq, %eq3A_323, %eq3A_324 : vector<4096x256xi32>
    %bitcast_convert_type3A = tpu.bitcast %dot_general3A_32 : vector<4096x256xf32> -> vector<4096x256xi32>
    %ge3A = arith.constant 0 : i32
    %ge3A_326 = vector.broadcast %ge3A : i32 to vector<4096x256xi32>
    %ge3A_327 = arith.cmpi sge, %bitcast_convert_type3A, %ge3A_326 : vector<4096x256xi32>
    %xor3A = arith.constant 2147483647 : i32
    %xor3A_328 = vector.broadcast %xor3A : i32 to vector<4096x256xi32>
    %xor3A_329 = arith.xori %bitcast_convert_type3A, %xor3A_328 : vector<4096x256xi32>
    %select_n3A_330 = arith.select %ge3A_327, %bitcast_convert_type3A, %xor3A_329 : vector<4096x256xi1>, vector<4096x256xi32>
    %jit3A_331 = arith.constant -2147483648 : i32
    %broadcast_in_dim3A_332 = vector.broadcast %jit3A_331 : i32 to vector<4096x256xi32>
    %select_n3A_333 = arith.select %eq3A_325, %select_n3A_330, %broadcast_in_dim3A_332 : vector<4096x256xi1>, vector<4096x256xi32>
    %jit3A_334 = arith.constant -2147483648 : i32
    %broadcast_in_dim3A_335 = vector.broadcast %jit3A_334 : i32 to vector<4096x256xi32>
    %select_n3A_336 = arith.select %eq3A_325, %broadcast_in_dim3A_335, %select_n3A_330 : vector<4096x256xi1>, vector<4096x256xi32>
    %broadcast_in_dim3A_337 = arith.constant 0 : i32
    %broadcast_in_dim3A_338 = vector.broadcast %broadcast_in_dim3A_337 : i32 to vector<1x256xi32>
    %ge3A_339 = vector.broadcast %broadcast_in_dim3A_338 : vector<1x256xi32> to vector<4096x256xi32>
    %ge3A_340 = arith.cmpi sge, %select_n3A_333, %ge3A_339 : vector<4096x256xi32>
    %jit3A_341 = arith.constant 1.000000e+00 : f32
    %jit3A_342 = arith.constant 0.000000e+00 : f32
    %broadcast_in_dim3A_343 = vector.broadcast %jit3A_341 : f32 to vector<4096x256xf32>
    %broadcast_in_dim3A_344 = vector.broadcast %jit3A_342 : f32 to vector<4096x256xf32>
    %select_n3A_345 = arith.select %ge3A_340, %broadcast_in_dim3A_343, %broadcast_in_dim3A_344 : vector<4096x256xi1>, vector<4096x256xf32>
    %dot_general3A_346 = arith.constant dense<0.000000e+00> : vector<1x256xf32>
    %dot_general3A_347 = tpu.matmul %broadcast_in_dim3A_42, %select_n3A_345, %dot_general3A_346 {dimension_numbers = #tpu.dot_dimension_numbers<[1], [0], [0], [1], [0, 0, 1, 1], [], []>, transpose_lhs_hint = false} : vector<1x4096xf32>, vector<4096x256xf32>, vector<1x256xf32> -> vector<1x256xf32>
    %ge3A_348 = arith.constant 2.000000e+01 : f32
    %ge3A_349 = vector.broadcast %ge3A_348 : f32 to vector<1x256xf32>
    %ge3A_350 = arith.cmpf oge, %dot_general3A_347, %ge3A_349 : vector<1x256xf32>
    %broadcast_in_dim3A_351 = arith.constant 0 : i32
    %broadcast_in_dim3A_352 = vector.broadcast %broadcast_in_dim3A_351 : i32 to vector<1x256xi32>
    %broadcast_in_dim3A_353 = arith.constant -2147483648 : i32
    %broadcast_in_dim3A_354 = vector.broadcast %broadcast_in_dim3A_353 : i32 to vector<1x256xi32>
    %select_n3A_355 = arith.select %ge3A_350, %broadcast_in_dim3A_352, %broadcast_in_dim3A_354 : vector<1x256xi1>, vector<1x256xi32>
    %broadcast_in_dim3A_356 = arith.constant 0 : i32
    %broadcast_in_dim3A_357 = vector.broadcast %broadcast_in_dim3A_356 : i32 to vector<1x256xi32>
    %ge3A_358 = vector.broadcast %broadcast_in_dim3A_357 : vector<1x256xi32> to vector<4096x256xi32>
    %ge3A_359 = arith.cmpi sge, %select_n3A_336, %ge3A_358 : vector<4096x256xi32>
    %jit3A_360 = arith.constant 1.000000e+00 : f32
    %jit3A_361 = arith.constant 0.000000e+00 : f32
    %broadcast_in_dim3A_362 = vector.broadcast %jit3A_360 : f32 to vector<4096x256xf32>
    %broadcast_in_dim3A_363 = vector.broadcast %jit3A_361 : f32 to vector<4096x256xf32>
    %select_n3A_364 = arith.select %ge3A_359, %broadcast_in_dim3A_362, %broadcast_in_dim3A_363 : vector<4096x256xi1>, vector<4096x256xf32>
    %dot_general3A_365 = arith.constant dense<0.000000e+00> : vector<1x256xf32>
    %dot_general3A_366 = tpu.matmul %broadcast_in_dim3A_42, %select_n3A_364, %dot_general3A_365 {dimension_numbers = #tpu.dot_dimension_numbers<[1], [0], [0], [1], [0, 0, 1, 1], [], []>, transpose_lhs_hint = false} : vector<1x4096xf32>, vector<4096x256xf32>, vector<1x256xf32> -> vector<1x256xf32>
    %ge3A_367 = arith.constant 2.000000e+01 : f32
    %ge3A_368 = vector.broadcast %ge3A_367 : f32 to vector<1x256xf32>
    %ge3A_369 = arith.cmpf oge, %dot_general3A_366, %ge3A_368 : vector<1x256xf32>
    %broadcast_in_dim3A_370 = arith.constant 0 : i32
    %broadcast_in_dim3A_371 = vector.broadcast %broadcast_in_dim3A_370 : i32 to vector<1x256xi32>
    %broadcast_in_dim3A_372 = arith.constant -2147483648 : i32
    %broadcast_in_dim3A_373 = vector.broadcast %broadcast_in_dim3A_372 : i32 to vector<1x256xi32>
    %select_n3A_374 = arith.select %ge3A_369, %broadcast_in_dim3A_371, %broadcast_in_dim3A_373 : vector<1x256xi1>, vector<1x256xi32>
    %scan3A = arith.constant 2.000000e+01 : f32
    %scan3A_375 = arith.constant 0 : i32
    %scan3A_376 = arith.constant 31 : i32
    %scan3A_377 = arith.addi %scan3A_375, %scan3A_376 : i32
    %scan3A_378 = arith.constant 1 : i32
    %scan3A_379:2 = scf.for %scan3A_426 = %scan3A_375 to %scan3A_377 step %scan3A_378 iter_args(%scan3A_427 = %select_n3A_355, %scan3A_428 = %select_n3A_374) -> (vector<1x256xi32>, vector<1x256xi32>)  : i32 {
      %sub3A = arith.constant 30 : i32
      %sub3A_429 = arith.subi %sub3A, %scan3A_426 : i32
      %shift_left3A = arith.constant 1 : i32
      %shift_left3A_430 = arith.shli %shift_left3A, %sub3A_429 : i32
      %add3A_431 = vector.broadcast %shift_left3A_430 : i32 to vector<1x256xi32>
      %add3A_432 = arith.addi %scan3A_427, %add3A_431 : vector<1x256xi32>
      %add3A_433 = vector.broadcast %shift_left3A_430 : i32 to vector<1x256xi32>
      %add3A_434 = arith.addi %scan3A_428, %add3A_433 : vector<1x256xi32>
      %ge3A_435 = vector.broadcast %add3A_432 : vector<1x256xi32> to vector<4096x256xi32>
      %ge3A_436 = arith.cmpi sge, %select_n3A_333, %ge3A_435 : vector<4096x256xi32>
      %jit3A_437 = arith.constant 1.000000e+00 : f32
      %jit3A_438 = arith.constant 0.000000e+00 : f32
      %broadcast_in_dim3A_439 = vector.broadcast %jit3A_437 : f32 to vector<4096x256xf32>
      %broadcast_in_dim3A_440 = vector.broadcast %jit3A_438 : f32 to vector<4096x256xf32>
      %select_n3A_441 = arith.select %ge3A_436, %broadcast_in_dim3A_439, %broadcast_in_dim3A_440 : vector<4096x256xi1>, vector<4096x256xf32>
      %dot_general3A_442 = arith.constant dense<0.000000e+00> : vector<1x256xf32>
      %dot_general3A_443 = tpu.matmul %broadcast_in_dim3A_42, %select_n3A_441, %dot_general3A_442 {dimension_numbers = #tpu.dot_dimension_numbers<[1], [0], [0], [1], [0, 0, 1, 1], [], []>, transpose_lhs_hint = false} : vector<1x4096xf32>, vector<4096x256xf32>, vector<1x256xf32> -> vector<1x256xf32>
      %ge3A_444 = vector.broadcast %add3A_434 : vector<1x256xi32> to vector<4096x256xi32>
      %ge3A_445 = arith.cmpi sge, %select_n3A_336, %ge3A_444 : vector<4096x256xi32>
      %jit3A_446 = arith.constant 1.000000e+00 : f32
      %jit3A_447 = arith.constant 0.000000e+00 : f32
      %broadcast_in_dim3A_448 = vector.broadcast %jit3A_446 : f32 to vector<4096x256xf32>
      %broadcast_in_dim3A_449 = vector.broadcast %jit3A_447 : f32 to vector<4096x256xf32>
      %select_n3A_450 = arith.select %ge3A_445, %broadcast_in_dim3A_448, %broadcast_in_dim3A_449 : vector<4096x256xi1>, vector<4096x256xf32>
      %dot_general3A_451 = arith.constant dense<0.000000e+00> : vector<1x256xf32>
      %dot_general3A_452 = tpu.matmul %broadcast_in_dim3A_42, %select_n3A_450, %dot_general3A_451 {dimension_numbers = #tpu.dot_dimension_numbers<[1], [0], [0], [1], [0, 0, 1, 1], [], []>, transpose_lhs_hint = false} : vector<1x4096xf32>, vector<4096x256xf32>, vector<1x256xf32> -> vector<1x256xf32>
      %ge3A_453 = vector.broadcast %scan3A : f32 to vector<1x256xf32>
      %ge3A_454 = arith.cmpf oge, %dot_general3A_443, %ge3A_453 : vector<1x256xf32>
      %select_n3A_455 = arith.select %ge3A_454, %add3A_432, %scan3A_427 : vector<1x256xi1>, vector<1x256xi32>
      %ge3A_456 = vector.broadcast %scan3A : f32 to vector<1x256xf32>
      %ge3A_457 = arith.cmpf oge, %dot_general3A_452, %ge3A_456 : vector<1x256xf32>
      %select_n3A_458 = arith.select %ge3A_457, %add3A_434, %scan3A_428 : vector<1x256xi1>, vector<1x256xi32>
      scf.yield %select_n3A_455, %select_n3A_458 : vector<1x256xi32>, vector<1x256xi32>
    }
    %scan3A_380 = arith.constant 31 : i32
    %add3A_381 = arith.constant -2147483648 : i32
    %add3A_382 = arith.constant 1 : i32
    %add3A_383 = arith.addi %add3A_381, %add3A_382 : i32
    %max3A_384 = vector.broadcast %add3A_383 : i32 to vector<1x256xi32>
    %max3A_385 = arith.maxsi %scan3A_379#0, %max3A_384 : vector<1x256xi32>
    %add3A_386 = arith.constant -2147483648 : i32
    %add3A_387 = arith.constant 1 : i32
    %add3A_388 = arith.addi %add3A_386, %add3A_387 : i32
    %max3A_389 = vector.broadcast %add3A_388 : i32 to vector<1x256xi32>
    %max3A_390 = arith.maxsi %scan3A_379#1, %max3A_389 : vector<1x256xi32>
    %broadcast_in_dim3A_391 = arith.constant 0.000000e+00 : f32
    %broadcast_in_dim3A_392 = vector.broadcast %broadcast_in_dim3A_391 : f32 to vector<4096x256xf32>
    %ge3A_393 = vector.broadcast %max3A_385 : vector<1x256xi32> to vector<4096x256xi32>
    %ge3A_394 = arith.cmpi sge, %select_n3A_333, %ge3A_393 : vector<4096x256xi32>
    %select_n3A_395 = arith.select %ge3A_394, %dot_general3A_34, %broadcast_in_dim3A_392 : vector<4096x256xi1>, vector<4096x256xf32>
    %dot_general3A_396 = arith.constant dense<0.000000e+00> : vector<1x256xf32>
    %dot_general3A_397 = tpu.matmul %broadcast_in_dim3A_42, %select_n3A_395, %dot_general3A_396 {dimension_numbers = #tpu.dot_dimension_numbers<[1], [0], [0], [1], [0, 0, 1, 1], [], []>, transpose_lhs_hint = false} : vector<1x4096xf32>, vector<4096x256xf32>, vector<1x256xf32> -> vector<1x256xf32>
    %ge3A_398 = vector.broadcast %max3A_390 : vector<1x256xi32> to vector<4096x256xi32>
    %ge3A_399 = arith.cmpi sge, %select_n3A_336, %ge3A_398 : vector<4096x256xi32>
    %select_n3A_400 = arith.select %ge3A_399, %dot_general3A_34, %broadcast_in_dim3A_392 : vector<4096x256xi1>, vector<4096x256xf32>
    %dot_general3A_401 = arith.constant dense<0.000000e+00> : vector<1x256xf32>
    %dot_general3A_402 = tpu.matmul %broadcast_in_dim3A_42, %select_n3A_400, %dot_general3A_401 {dimension_numbers = #tpu.dot_dimension_numbers<[1], [0], [0], [1], [0, 0, 1, 1], [], []>, transpose_lhs_hint = false} : vector<1x4096xf32>, vector<4096x256xf32>, vector<1x256xf32> -> vector<1x256xf32>
    %div3A_403 = arith.divf %dot_general3A_397, %dot_general3A_402 : vector<1x256xf32>
    %reshape3A_404 = vector.shape_cast %div3A_403 : vector<1x256xf32> to vector<1x1x256xf32>
    %swap3A_405 = arith.constant 0 : index
    %swap3A_406 = arith.constant 0 : index
    %swap3A_407 = arith.constant 0 : index
    %swap3A_408 = vector.load %arg7[%swap3A_405, %swap3A_406, %swap3A_407] : memref<1x1x256xf32, #tpu.memory_space<vmem>>, vector<1x1x256xf32>
    tpu.vector_store %arg7[%swap3A_405, %swap3A_406, %swap3A_407], %reshape3A_404 {strides = array<i32>} : memref<1x1x256xf32, #tpu.memory_space<vmem>>, vector<1x1x256xf32>,
    %reshape3A_409 = vector.shape_cast %convert_element_type3A_311 : vector<1x256xi32> to vector<1x1x256xi32>
    %swap3A_410 = arith.constant 0 : index
    %swap3A_411 = arith.constant 0 : index
    %swap3A_412 = arith.constant 0 : index
    %swap3A_413 = vector.load %arg8[%swap3A_410, %swap3A_411, %swap3A_412] : memref<1x1x256xi32, #tpu.memory_space<vmem>>, vector<1x1x256xi32>
    tpu.vector_store %arg8[%swap3A_410, %swap3A_411, %swap3A_412], %reshape3A_409 {strides = array<i32>} : memref<1x1x256xi32, #tpu.memory_space<vmem>>, vector<1x1x256xi32>,
    %eq3A_414 = arith.constant 0 : i32
    %eq3A_415 = arith.cmpi eq, %arg0, %eq3A_414 : i32
    %convert_element_type3A_416 = arith.extui %eq3A_415 : i1 to i32
    %cond3A = arith.constant 0 : i32
    %cond3A_417 = arith.cmpi ne, %convert_element_type3A_416, %cond3A : i32
    scf.if %cond3A_417 {
      %broadcast_in_dim3A_426 = arith.constant 0 : i32
      %broadcast_in_dim3A_427 = vector.broadcast %broadcast_in_dim3A_426 : i32 to vector<1x1xi32>
      %swap3A_428 = arith.constant 0 : index
      %swap3A_429 = arith.constant 0 : index
      %swap3A_430 = vector.load %arg9[%swap3A_428, %swap3A_429] : memref<1x1xi32, #tpu.memory_space<vmem>>, vector<1x1xi32>
      tpu.vector_store %arg9[%swap3A_428, %swap3A_429], %broadcast_in_dim3A_427 {strides = array<i32>} : memref<1x1xi32, #tpu.memory_space<vmem>>, vector<1x1xi32>,
    } else {
    }
    %get3A_418 = arith.constant 0 : index
    %get3A_419 = arith.constant 0 : index
    %get3A_420 = vector.load %arg9[%get3A_418, %get3A_419] : memref<1x1xi32, #tpu.memory_space<vmem>>, vector<1x1xi32>
    %add3A_421 = vector.broadcast %reduce_sum3A_322 : i32 to vector<1x1xi32>
    %add3A_422 = arith.addi %get3A_420, %add3A_421 : vector<1x1xi32>
    %swap3A_423 = arith.constant 0 : index
    %swap3A_424 = arith.constant 0 : index
    %swap3A_425 = vector.load %arg9[%swap3A_423, %swap3A_424] : memref<1x1xi32, #tpu.memory_space<vmem>>, vector<1x1xi32>
    tpu.vector_store %arg9[%swap3A_423, %swap3A_424], %add3A_422 {strides = array<i32>} : memref<1x1xi32, #tpu.memory_space<vmem>>, vector<1x1xi32>,
    return
  }
  func.func @transform_0(%arg0: i32) -> (i32, i32) {
    %c0_i32 = arith.constant 0 : i32
    %c0_i32_0 = arith.constant 0 : i32
    %c0_i32_1 = arith.constant 0 : i32
    return %c0_i32, %c0_i32_0 : i32, i32
  }
  func.func @transform_1(%arg0: i32) -> (i32, i32) {
    %c0_i32 = arith.constant 0 : i32
    %c0_i32_0 = arith.constant 0 : i32
    return %arg0, %c0_i32 : i32, i32
  }
  func.func @transform_2(%arg0: i32) -> (i32, i32) {
    %c0_i32 = arith.constant 0 : i32
    %c0_i32_0 = arith.constant 0 : i32
    return %arg0, %c0_i32 : i32, i32
  }
  func.func @transform_3(%arg0: i32) -> (i32, i32) {
    %c0_i32 = arith.constant 0 : i32
    %c0_i32_0 = arith.constant 0 : i32
    %c0_i32_1 = arith.constant 0 : i32
    return %c0_i32, %c0_i32_0 : i32, i32
  }
  func.func @transform_4(%arg0: i32) -> (i32, i32) {
    %c0_i32 = arith.constant 0 : i32
    %c0_i32_0 = arith.constant 0 : i32
    %c0_i32_1 = arith.constant 0 : i32
    return %c0_i32, %c0_i32_0 : i32, i32
  }
  func.func @transform_5(%arg0: i32) -> (i32, i32, i32) {
    %c0_i32 = arith.constant 0 : i32
    %c0_i32_0 = arith.constant 0 : i32
    %c0_i32_1 = arith.constant 0 : i32
    return %arg0, %c0_i32, %c0_i32_0 : i32, i32, i32
  }
  func.func @transform_6(%arg0: i32) -> (i32, i32, i32) {
    %c0_i32 = arith.constant 0 : i32
    %c0_i32_0 = arith.constant 0 : i32
    %c0_i32_1 = arith.constant 0 : i32
    return %arg0, %c0_i32, %c0_i32_0 : i32, i32, i32
  }
  func.func @transform_7(%arg0: i32) -> (i32, i32, i32) {
    %c0_i32 = arith.constant 0 : i32
    %c0_i32_0 = arith.constant 0 : i32
    %c0_i32_1 = arith.constant 0 : i32
    return %arg0, %c0_i32, %c0_i32_0 : i32, i32, i32
  }
  func.func @transform_8(%arg0: i32) -> (i32, i32) {
    %c0_i32 = arith.constant 0 : i32
    %c0_i32_0 = arith.constant 0 : i32
    %c0_i32_1 = arith.constant 0 : i32
    return %c0_i32, %c0_i32_0 : i32, i32
  }
}

</mosaic_0001>

<sc_bundles>
// kernel: kernel.5.cloned.1.call-start
scs
__scs_entry_jumppad:
0x0: {  	(pc) =	sbr.rel $0x88, $3  }
0x1: {  	(tag) =	ssettag $0x0;
	lr =	simm.s32 $0x1  }
0x2: {  	[smem:$0x3F9C] =	sst lr;
	_ =	strace $0xD0000000  }
0x3: {  	_ = 	snop  }
0x4: {  	_ = 	snop  }
0x5: {  	_ = 	snop  }
0x6: {  	_ = 	snop  }
0x7: {  	_ = 	snop  }
__scs_overlays_trampoline_lowered:
0x8: {  	[smem:$0x3FAB] =	sst s0  }
0x9: {  	[smem:$0x3FAC] =	sst s1  }
0xa: {  	[smem:$0x3FAD] =	sst s2  }
0xb: {  	[smem:$0x3FAE] =	sst s3  }
0xc: {  	[smem:$0x3FAF] =	sst s4  }
0xd: {  	[smem:$0x3FB0] =	sst s5  }
0xe: {  	[smem:$0x3FB1] =	sst s6  }
0xf: {  	[smem:$0x3FB2] =	sst s7  }
0x10: {  	[smem:$0x3FB3] =	sst s8  }
0x11: {  	[smem:$0x3FB4] =	sst s9;
	s0 =	simm.s32 @!p0 $0x0  }
0x12: {  	s1 =	sld [smem:$0x3F9A];
	s0 =	simm.s32 @p0 $0x1  }
0x13: {  	[smem:$0x3FB5] =	sst s0;
	s0 =	simm.s32 @!p1 $0x0  }
0x14: {  	s2 =	sld [smem:$0x3F99];
	s0 =	simm.s32 @p1 $0x1  }
0x15: {  	[smem:$0x3FB6] =	sst s0;
	s0 =	simm.s32 @!p2 $0x0  }
0x16: {  	s3 =	sld [smem:$0x3FDB];
	s0 =	simm.s32 @p2 $0x1  }
0x17: {  	s4 =	simm.s32 $0x1BF5;
	[smem:$0x3FB8] =	sst s0  }
0x18: {  	s0 =	sld [smem:$0x3F9B];
	_ =	swait.ge [sflag:s4], $0x0  }
0x19: {  	s7 =	sld [smem:$0x3F9C]  }
0x1a: {  	s8 =	sadd.s32 $0xFFFFE003, lr  }
0x1b: {  	s9 =	sadd.s32 $0xFFFFFEF7, lr;
	s5 =	simm.s32 $0xFFFFFFFF;
	p2 =	slt.u32 s8, $0xFFFFF086  }
0x1c: {  	p1 =	slt.u32 s9, $0xF7A;
	s5 =	simm.s32 @!p2 $0x0  }
0x1d: {  	s5 =	simm.s32 @p1 $0x1;
	p0 =	seq.s32 s7, s2  }
0x1e: {  	s7 =	smul.u32 @!p0 $0xF7A, s2;
	p2 =	seq.s32 @!p0 s5, $0x0  }
0x1f: {  	s9 =	smul.u32 $0xF7A, s1;
	s8 =	simm.s32 @!p0 $0x1BF5;
	p2 =	por !p2, p0  }
0x20: {  	[sflag:s8] =	ssyncset.s32 @!p0 $0xFFFFF086;
	s6 =	sadd.s32 @!p0 s3, s7;
	s7 =	simm.s32 @!p0 $0x108  }
0x21: {  	s3 =	sadd.s32 s3, s9;
	s6 =	sadd.s32 @!p0 $0x88, s6;
	s7 =	simm.s32 @p2 $0x1082  }
0x22: {  	[simem:s7], [sflag:s8] =	dma.local @!p0 [hbm:s6], $0xF7A  }
0x23: {  	s9 =	sor.u32 $0xD0000000, s2;
	s6 =	simm.s32 $0x108;
	_ =	swait.ge @!p0 [sflag:s8], $0x0  }
0x24: {  	s3 =	sadd.s32 $0x88, s3;
	s6 =	simm.s32 @!p1 $0x1082;
	[sflag:s4] =	ssyncset.s32 $0xFFFFF086  }
0x25: {  	[simem:s6], [sflag:s4] =	dma.local [hbm:s3], $0xF7A  }
0x26: {  	[smem:$0x3F9C] =	sst s1;
	(tag) =	ssettag s2;
	_ =	strace s9  }
0x27: {  	s1 =	sld [smem:$0x3FAC]  }
0x28: {  	s2 =	sld [smem:$0x3FAD]  }
0x29: {  	s4 =	sld [smem:$0x3FAF]  }
0x2a: {  	p0 =	seq.s32 s5, $0x0;
	s5 =	sld [smem:$0x3FB0]  }
0x2b: {  	s6 =	sld [smem:$0x3FB1]  }
0x2c: {  	s7 =	sld [smem:$0x3FB2]  }
0x2d: {  	s3 =	simm.s32 $0x108;
	s8 =	sld [smem:$0x3FB3]  }
0x2e: {  	s3 =	simm.s32 @!p0 $0x1082;
	s9 =	sld [smem:$0x3FB4]  }
0x2f: {  	lr =	sadd.s32 s0, s3;
	s0 =	sld [smem:$0x3FAB]  }
0x30: {  	s3 =	sld [smem:$0x3FAE]  }
0x31: {  	[smem:$0x3FB7] =	sst s10  }
0x32: {  	s10 =	sld [smem:$0x3FB5];
	_ =	sdelay $0x3  }
0x33: {  	p0 =	seq.s32 s10, $0x1;
	s10 =	sld [smem:$0x3FB7];
	_ =	sdelay $0x3  }
0x34: {  	[smem:$0x3FB7] =	sst s10  }
0x35: {  	s10 =	sld [smem:$0x3FB6];
	_ =	sdelay $0x3  }
0x36: {  	p1 =	seq.s32 s10, $0x1;
	s10 =	sld [smem:$0x3FB7];
	_ =	sdelay $0x3  }
0x37: {  	[smem:$0x3FB7] =	sst s10  }
0x38: {  	s10 =	sld [smem:$0x3FB8]  }
0x39: {  	_ = 	snop;
	(pc) =	sbr.ind lr, $3  }
0x3a: {  	_ = 	snop  }
0x3b: {  	_ = 	snop  }
0x3c: {  	p2 =	seq.s32 s10, $0x1;
	s10 =	sld [smem:$0x3FB7]  }
0x3d: {  	_ =	shalt  }
0x3e: {  	_ =	shalt  }
0x3f: {  	_ =	shalt  }
0x40: {  	_ =	shalt  }
0x41: {  	_ =	shalt  }
0x42: {  	_ =	shalt  }
0x43: {  	_ =	shalt  }
0x44: {  	_ =	shalt  }
0x45: {  	_ =	shalt  }
0x46: {  	_ =	shalt  }
0x47: {  	_ =	shalt  }
0x48: {  	_ =	shalt  }
0x49: {  	_ =	shalt  }
0x4a: {  	_ =	shalt  }
0x4b: {  	_ =	shalt  }
0x4c: {  	_ =	shalt  }
0x4d: {  	_ =	shalt  }
0x4e: {  	_ =	shalt  }
0x4f: {  	_ =	shalt  }
0x50: {  	_ =	shalt  }
0x51: {  	_ =	shalt  }
0x52: {  	_ =	shalt  }
0x53: {  	_ =	shalt  }
0x54: {  	_ =	shalt  }
0x55: {  	_ =	shalt  }
0x56: {  	_ =	shalt  }
0x57: {  	_ =	shalt  }
0x58: {  	_ =	shalt  }
0x59: {  	_ =	shalt  }
0x5a: {  	_ =	shalt  }
0x5b: {  	_ =	shalt  }
0x5c: {  	_ =	shalt  }
0x5d: {  	_ =	shalt  }
0x5e: {  	_ =	shalt  }
0x5f: {  	_ =	shalt  }
0x60: {  	_ =	shalt  }
0x61: {  	_ =	shalt  }
0x62: {  	_ =	shalt  }
0x63: {  	_ =	shalt  }
0x64: {  	_ =	shalt  }
0x65: {  	_ =	shalt  }
0x66: {  	_ =	shalt  }
0x67: {  	_ =	shalt  }
0x68: {  	_ =	shalt  }
0x69: {  	_ =	shalt  }
0x6a: {  	_ =	shalt  }
0x6b: {  	_ =	shalt  }
0x6c: {  	_ =	shalt  }
0x6d: {  	_ =	shalt  }
0x6e: {  	_ =	shalt  }
0x6f: {  	_ =	shalt  }
0x70: {  	_ =	shalt  }
0x71: {  	_ =	shalt  }
0x72: {  	_ =	shalt  }
0x73: {  	_ =	shalt  }
0x74: {  	_ =	shalt  }
0x75: {  	_ =	shalt  }
0x76: {  	_ =	shalt  }
0x77: {  	_ =	shalt  }
0x78: {  	_ =	shalt  }
0x79: {  	_ =	shalt  }
0x7a: {  	_ =	shalt  }
0x7b: {  	_ =	shalt  }
0x7c: {  	_ =	shalt  }
0x7d: {  	_ =	shalt  }
0x7e: {  	_ =	shalt  }
0x7f: {  	_ =	shalt  }
0x80: {  	_ =	shalt  }
0x81: {  	_ =	shalt  }
0x82: {  	_ =	shalt  }
0x83: {  	_ =	shalt  }
0x84: {  	_ =	shalt  }
0x85: {  	_ =	shalt  }
0x86: {  	_ =	shalt  }
0x87: {  	_ =	shalt  }
.Lfunc_end0:
.L_simem_size_0:
called_computation_lowered:
.L_overlay_start_0:
0x88: {  	s2 =	sld [smem:$0x3FD9]  }
0x89: {  	s3 =	sld [smem:$0x3FFE];
	_ =	sdelay $0x1  }
0x8a: {  	s1 =	srdreg.scid  }
0x8b: {  	s0 =	sand.u32 $0x1, s1  }
0x8c: {  	s16 =	sshll.u32 s0, $0xA;
	s2 =	sadd.s32 s3, s2  }
0x8d: {  	s2 =	sadd.s32 s2, s16  }
0x8e: {  	[smem:$0x3FC3] =	sst s2  }
0x8f: {  	_ = 	snop  }
0x90: {  	(tm) =	ssettm $0x1  }
0x91: {  	s17 =	sld [smem:$0x3FFB];
	_ =	sdelay $0x3  }
0x92: {  	_ =	strace s17  }
0x93: {  	s2 =	sld [smem:$0x3FFC];
	_ =	sdelay $0x3  }
0x94: {  	_ =	strace s2  }
0x95: {  	s2 =	sld [smem:$0x3FFD];
	_ =	sdelay $0x3  }
0x96: {  	_ =	strace s2  }
0x97: {  	_ =	strace $0x8FFFFFFF  }
0x98: {  	s18 =	sld [smem:$0x3FDB];
	_ =	sdelay $0x1  }
0x99: {  	s19 =	simm.s32 $_scs_section_size  }
0x9a: {  	s4 =	simm.s32 $_size__tile_overlayer_lowered;
	s5 =	simm.s32 $_tile_overlayer_lowered  }
0x9b: {  	s22 =	simm.s32 $0x1BFF;
	s21 =	sshll.u32 s5, $0x1;
	s2 =	sadd.s32 s19, s18  }
0x9c: {  	s6 =	simm.s32 $0x0;
	s20 =	sshll.u32 s4, $0x1;
	s4 =	sadd.s32 s21, s2  }
0x9d: {  	[timem:s6], [sflag:s22] =	dma.local [hbm:s4], s20  }
0x9e: {  	_ =	swait.ge [sflag:s22], s20  }
0x9f: {  	s3 =	ssub.s32 $0x0, s20;
	[sflag:s22] =	ssyncset.done $0x0  }
0xa0: {  	[sflag:s22] =	ssyncadd.s32 s3;
	_ =	sdelay $0x1  }
0xa1: {  	s23 =	simm.s32 $0x1B8B  }
0xa2: {  	_ =	swait.ge [sflag:s23], $0x1  }
0xa3: {  	[sflag:s23] =	ssyncset.done $0x0  }
0xa4: {  	s25 =	simm.s32 $0x1B8E;
	s24 =	sld [smem:$0x3FFE];
	[sflag:s23] =	ssyncadd.s32 $0xFFFFFFFF  }
0xa5: {  	s26 =	simm.s32 $execute0_lowered;
	[smem:$0x3FD2] =	sst s25  }
0xa6: {  	s4 =	sshll.u32 s26, $0x1;
	_ =	strace $0x80000046;
	[dreg:$0x1] =	wrdreg $0xFFFFFFFF  }
0xa7: {  	s28 =	simm.s32 $_size_execute0_lowered;
	s2 =	sadd.s32 s2, s4;
	[dreg:$0x0] =	wrdreg $0x0  }
0xa8: {  	s4 =	sshll.u32 s28, $0x1;
	[dreg:$0x2] =	wrdreg s2  }
0xa9: {  	[dreg:$0x3] =	wrdreg s4  }
0xaa: {  	[dreg:$0x4] =	wrdreg $0xC0  }
0xab: {  	_ =	task [dreg:s6], $0x5FFFF  }
0xac: {  	[dreg:$0x1] =	wrdreg $0xFFFFFFFF  }
0xad: {  	[dreg:$0x0] =	wrdreg $0x60  }
0xae: {  	[dreg:$0x2] =	wrdreg s24  }
0xaf: {  	[dreg:$0x3] =	wrdreg $0x9  }
0xb0: {  	_ =	task.clear_ibuf [dreg:s6], $0x4FFFF;
	_ =	strace $0x90000046  }
0xb1: {  	s29 =	simm.s32 $0x9;
	_ =	strace $0x80000048  }
0xb2: {  	_ =	swait.ge [sflag:s29], $0x1  }
0xb3: {  	[sflag:s29] =	ssyncadd.s32 $0xFFFFFFFF  }
0xb4: {  	_ =	strace $0x90000048  }
0xb5: {  	_ =	sfence  }
0xb6: {  	s30 =	sld [smem:$0x0];
	_ =	sdelay $0x2  }
0xb7: {  	s31 =	sshll.u32 s1, $0xD;
	s1 =	sshrl.u32 s1, $0x2  }
0xb8: {  	s3 =	sand.u32 $0x4000, s31;
	s1 =	sadd.s32 s1, s30  }
0xb9: {  	s0 =	sor.u32 s3, s0;
	s1 =	sshll.u32 s1, $0x11  }
0xba: {  	s0 =	sor.u32 s1, s0  }
0xbb: {  	s0 =	sadd.s32 $0x8F2B, s0  }
0xbc: {  	[sflag:s0] =	ssyncadd.remote.s32 $0x1  }
0xbd: {  	_ =	sfence.sel $0xFFFF  }
0xbe: {  	[dreg:$0x0] =	wrdreg $0xFFFFFFFF;
	(pc) =	sbr.abs _section_cstart, $3  }
0xbf: {  	[dreg:$0x1] =	wrdreg $0xFFFFFFFF  }
0xc0: {  	_ =	task.clear_ibuf [dreg:s6], $0x2FFFF;
	_ =	strace $0x9FFFFFFF  }
0xc1: {  	(tm) =	ssettm $0x7FFFFFFF  }
tec
execute0_lowered:
.L_overlay_start_1:
0x0: {  	(tag) =	ssettag $0x1  }
0x1: {  	v0 =	vimm.s32 $0xFEDCBA98;
	v1 =	vimm.s32 $0x76543210  }
0x2: {  	v2 =	vimm.s32 $0xBA98FEDC;
	v3 =	vimm.s32 $0x32107654;
	v4 =	vimm.s32 $0xDCFE98BA  }
0x3: {  	s4 =	rddreg [dreg:$0x0];
	v5 =	vimm.s32 $0x54761032;
	v6 =	vimm.s32 $0xEFCDAB89;
	v7 =	vimm.s32 $0x67452301  }
0x4: {  	s0 =	rddreg [dreg:$0x1];
	v0 =	vunpack.c.l.s4.s8 v0;
	v1 =	vunpack.c.l.s4.s8 v1;
	v2 =	vunpack.c.l.s4.s8 v2  }
0x5: {  	s2 =	simm.s32 $0x0;
	s3 =	srdreg.scid;
	s1 =	stileid.u32;
	v3 =	vunpack.c.l.s4.s8 v3;
	v4 =	vunpack.c.l.s4.s8 v4;
	v5 =	vunpack.c.l.s4.s8 v5  }
0x6: {  	s9 =	simm.s32 $0x1000;
	s3 =	sand.u32 $0x1, s3;
	s5 =	sshll.u32 s1, $0x1;
	v6 =	vunpack.c.l.s4.s8 v6;
	v7 =	vunpack.c.l.s4.s8 v7;
	v0 =	vunpack.c.0.s8.s32 v0  }
0x7: {  	s10 =	simm.s32 $0x0;
	[smem:$0x7FF] =	sst s2;
	s5 =	sor.u32 s3, s5;
	v1 =	vunpack.c.0.s8.s32 v1;
	v2 =	vunpack.c.0.s8.s32 v2;
	v3 =	vunpack.c.0.s8.s32 v3  }
0x8: {  	_ =	strace $0x80000047;
	s6 =	ssub.s32 $0x2, s3;
	s7 =	sshll.u32 s5, $0x3;
	v4 =	vunpack.c.0.s8.s32 v4;
	v5 =	vunpack.c.0.s8.s32 v5;
	v0 =	vand.u32 $0xF, v0  }
0x9: {  	s3 =	sadd.s32 $0x1200, s4;
	s8 =	sshrl.u32 s6, $0x1;
	v6 =	vunpack.c.0.s8.s32 v6;
	v7 =	vunpack.c.0.s8.s32 v7;
	s7 =	sadd.s32 s7, s4;
	v0 =	vcombine.low v0, v1  }
0xa: {  	s6 =	ssub.s32 s6, s8;
	s4 =	sshll.u32 s5, $0x6;
	s8 =	simm.s32 $0x40000000;
	v1 =	vcombine.low v3, v2;
	v2 =	vcombine.low v5, v4  }
0xb: {  	s5 =	sadd.s32 $0x1400, s7;
	s6 =	smax.u32 s6, $0x1;
	s7 =	simm.s32 $0x1;
	v3 =	vimm.s32 $0x0;
	v4 =	vcombine.low v7, v6;
	v5 =	vimm.s32 $0x80000000  }
.LBB2_1:
0xc: {  	[tilespmem:s2], [sflag:$0x1] =	stream.linear.gather [hbm4b:s3+s2], $0x800, $0x38;
	[tilespmem:$0x1080] =	vst v63  }
0xd: {  	_ =	swait.ge [sflag:s7], $0x800  }
0xe: {  	[sflag:s7] =	ssyncset.done $0x0  }
0xf: {  	s11 =	simm.s32 $0x0;
	[sflag:s7] =	ssyncadd.s32 $0xFFFFF800  }
0x10: {  	v6 =	vld [tilespmem:s11+$0x0]  }
0x11: {  	s12 =	simm.s32 $0x40  }
.LBB2_2:
0x12: {  	p0 =	sne.s32 s12, $0x1FC0  }
.Ltmp0:
0x13: {  	_ = 	snop;
	(pc) =	sbr.rel @p0 .LBB2_2-.Ltmp0, $4  }
0x14: {  	_ = 	snop  }
0x15: {  	s13 =	sshra.s32 s12, $0x2;
	s12 =	sadd.s32 $0x40, s12;
	v7 =	vxor.u32 $0x7FFFFFFF, v6;
	vm0 =	vlt.s32 v6, $0x0  }
0x16: {  	v7 =	vsel vm0, v7, v6;
	v6 =	vld [tilespmem:s13+$0x0]  }
0x17: {  	[tilespmem:s11+$0x800] =	vst v7;
	s11 =	smov.u32 s13  }
0x18: {  	_ =	sdelay $0x2  }
0x19: {  	v7 =	vxor.u32 $0x7FFFFFFF, v6;
	vm0 =	vlt.s32 v6, $0x0  }
0x1a: {  	v6 =	vsel vm0, v7, v6  }
0x1b: {  	s12 =	simm.s32 $0x0;
	[tilespmem:s11+$0x800] =	vst v6  }
0x1c: {  	v7 =	vld [tilespmem:s12+$0x800]  }
0x1d: {  	v6 =	vimm.s32 $0x0;
	s11 =	simm.s32 $0x40  }
.LBB2_4:
0x1e: {  	p0 =	sne.s32 s11, $0x1FC0  }
.Ltmp1:
0x1f: {  	_ = 	snop;
	(pc) =	sbr.rel @p0 .LBB2_4-.Ltmp1, $4  }
0x20: {  	_ = 	snop  }
0x21: {  	s12 =	sshra.s32 s11, $0x2;
	s11 =	sadd.s32 $0x40, s11;
	vm0 =	vgt.s32 v7, $0xFFFFFFFF  }
0x22: {  	v7 =	vld [tilespmem:s12+$0x800];
	v8 =	vsel vm0, $0x1, v3  }
0x23: {  	v6 =	vadd.s32 v8, v6  }
0x24: {  	_ =	sdelay $0x2  }
0x25: {  	vm0 =	vgt.s32 v7, $0xFFFFFFFF  }
0x26: {  	v7 =	vsel vm0, $0x1, v3  }
0x27: {  	v6 =	vadd.s32 v7, v6  }
0x28: {  	v7 =	vperm.xlane v6, v0;
	_ =	sdelay $0x1  }
0x29: {  	v6 =	vadd.s32 v6, v7  }
0x2a: {  	v7 =	vperm.xlane v6, v1;
	_ =	sdelay $0x1  }
0x2b: {  	v6 =	vadd.s32 v7, v6  }
0x2c: {  	v7 =	vperm.xlane v6, v2;
	_ =	sdelay $0x1  }
0x2d: {  	v6 =	vadd.s32 v7, v6  }
0x2e: {  	v7 =	vperm.xlane v6, v4;
	_ =	sdelay $0x1  }
0x2f: {  	v6 =	vadd.s32 v7, v6  }
0x30: {  	vm15 =	vgt.s32 v6, $0x1FF  }
0x31: {  	s11 =	simm.s32 $0x0;
	v6 =	vsel vm15, $0x0, v5  }
.LBB2_6:
0x32: {  	s13 =	simm.s32 $0x0  }
0x33: {  	s12 =	sshrl.u32 s8, s11;
	v9 =	vld [tilespmem:s13+$0x800]  }
0x34: {  	v8 =	vimm.s32 $0x0;
	v7 =	vadd.s32 s12, v6;
	s12 =	simm.s32 $0x40  }
.LBB2_7:
0x35: {  	p0 =	sne.s32 s12, $0x1FC0  }
.Ltmp2:
0x36: {  	_ = 	snop;
	(pc) =	sbr.rel @p0 .LBB2_7-.Ltmp2, $4  }
0x37: {  	_ = 	snop  }
0x38: {  	s13 =	sshra.s32 s12, $0x2;
	s12 =	sadd.s32 $0x40, s12;
	vm0 =	vge.s32 v9, v7  }
0x39: {  	v9 =	vld [tilespmem:s13+$0x800];
	v10 =	vsel vm0, $0x1, v3  }
0x3a: {  	v8 =	vadd.s32 v10, v8  }
0x3b: {  	_ =	sdelay $0x2  }
0x3c: {  	vm0 =	vge.s32 v9, v7  }
0x3d: {  	v9 =	vsel vm0, $0x1, v3  }
0x3e: {  	v8 =	vadd.s32 v9, v8  }
0x3f: {  	v9 =	vperm.xlane v8, v0;
	_ =	sdelay $0x1  }
0x40: {  	v8 =	vadd.s32 v8, v9  }
0x41: {  	v9 =	vperm.xlane v8, v1;
	_ =	sdelay $0x1  }
0x42: {  	v8 =	vadd.s32 v9, v8  }
0x43: {  	v9 =	vperm.xlane v8, v2  }
0x44: {  	s11 =	sadd.s32 $0x1, s11  }
0x45: {  	p0 =	seq.s32 s11, $0x1F;
	v8 =	vadd.s32 v9, v8  }
.Ltmp3:
0x46: {  	v9 =	vperm.xlane v8, v4;
	(pc) =	sbr.rel @!p0 .LBB2_6-.Ltmp3, $4  }
0x47: {  	_ = 	snop  }
0x48: {  	v8 =	vadd.s32 v9, v8  }
0x49: {  	vm15 =	vgt.s32 v8, $0x1FF  }
0x4a: {  	v6 =	vsel vm15, v7, v6  }
0x4b: {  	v7 =	vld [tilespmem:s4+$0x800];
	_ =	sdelay $0x4  }
0x4c: {  	vm0 =	vge.s32 v7, v6  }
0x4d: {  	v7 =	vsel vm0, $0x1, v3  }
0x4e: {  	[tilespmem:$0x1000] =	vst v7  }
0x4f: {  	v7 =	vld [tilespmem:s4+$0x810];
	_ =	sdelay $0x4  }
0x50: {  	vm13 =	vge.s32 v7, v6  }
0x51: {  	v7 =	vsel vm13, $0x1, v3  }
0x52: {  	[tilespmem:$0x1010] =	vst v7  }
0x53: {  	v7 =	vld [tilespmem:s4+$0x820];
	_ =	sdelay $0x4  }
0x54: {  	vm14 =	vge.s32 v7, v6  }
0x55: {  	v7 =	vsel vm14, $0x1, v3  }
0x56: {  	[tilespmem:$0x1020] =	vst v7  }
0x57: {  	v7 =	vld [tilespmem:s4+$0x830];
	_ =	sdelay $0x4  }
0x58: {  	s10 =	sadd.s32 $0x1, s10;
	vm15 =	vge.s32 v7, v6  }
0x59: {  	p0 =	seq.s32 s10, s6;
	v6 =	vsel vm15, $0x1, v3  }
.Ltmp4:
0x5a: {  	[tilespmem:$0x1030] =	vst v6;
	(pc) =	sbr.rel @!p0 .LBB2_1-.Ltmp4, $4  }
0x5b: {  	[hbm4b:s5+s2] =	stream.linear.scatter [tilespmem:s9], [sflag:$0x1], $0x40, $0x38;
	[tilespmem:$0x1080] =	vst v63  }
0x5c: {  	_ =	swait.ge [sflag:s7], $0x40  }
0x5d: {  	[sflag:s7] =	ssyncset.done $0x0  }
0x5e: {  	[sflag:s7] =	ssyncadd.s32 $0xFFFFFFC0  }
0x5f: {  	_ =	sfence.sel $0x180000  }
0x60: {  	[bflag:$0x0] =	sbarrier.arrive $0xFFFF  }
0x61: {  	p0 =	sne.s32 s1, $0x0;
	_ =	strace $0x90000047  }
0x62: {  	s0 =	sadd.s32 @!p0 $0x100000, s0;
	[bflag:$0x2] =	sbarrier.arrive $0xFFFF  }
0x63: {  	[sflag:s0] =	ssyncadd.tile.s32 @!p0 $0x1;
	_ =	shalt  }
.Lfunc_end2:
_tile_overlayer_lowered:
.L_overlay_start_2:
0x64: {  	(tag) =	ssettag $0x2  }
0x65: {  	s0 =	rddreg [dreg:$0x0];
	s2 =	stileid.u32  }
0x66: {  	s1 =	rddreg [dreg:$0x1];
	p0 =	sne.s32 s2, $0x0  }
0x67: {  	s3 =	rddreg [dreg:$0x2];
	[bflag:$0x3] =	sbarrier.arrive $0xFFFF;
	s2 =	simm.s32 @!p0 $0x1C01  }
0x68: {  	[timem:s3], [sflag:s2] =	dma.local @!p0 [hbm:s0], s1  }
0x69: {  	s0 =	simm.s32 @!p0 $0x1  }
0x6a: {  	_ =	swait.ge @!p0 [sflag:s0], s1  }
0x6b: {  	s1 =	ssub.s32 @!p0 $0x0, s1;
	[sflag:s0] =	ssyncset.done @!p0 $0x0  }
0x6c: {  	[sflag:s0] =	ssyncadd.s32 @!p0 s1  }
0x6d: {  	[bflag:$0x3] =	sbarrier.arrive $0xFFFF  }
0x6e: {  	_ =	shalt  }

</sc_bundles>
